<compile_context>
chip_gen: v7x
topology: tpu7x:2x2x1
jax: 0.10.2.dev20260603
libtpu: 0.0.44.dev20260713+nightly
codegen_flags: <defaults>
</compile_context>

<pallas_src>
import functools

import jax
import jax.numpy as jnp
from jax import lax
from jax.experimental import pallas as pl
from jax.experimental.pallas import tpu as pltpu
from jax.experimental.pallas import tpu_sc as plsc

NC, NS = 2, 16
NW = NC * NS
NSLOT = 3
GS = 8
BS = 512
K = 1


def _build_gather(B, S, D):
    assert S % NW == 0
    s_per_w = S // NW
    assert s_per_w % GS == 0
    n_chunks = s_per_w // GS
    ROWS = B * GS

    mesh = plsc.VectorSubcoreMesh(
        core_axis_name="c", subcore_axis_name="s", num_cores=NC, num_subcores=NS
    )

    @functools.partial(
        pl.kernel,
        out_type=jax.ShapeDtypeStruct((B, S, D), jnp.float32),
        mesh=mesh,
        scratch_types=[
            pltpu.VMEM((B, s_per_w), jnp.int32),
            pltpu.VMEM((NSLOT, ROWS, D), jnp.float32),
            pltpu.SemaphoreType.DMA((NSLOT,)),
            pltpu.SemaphoreType.DMA((NSLOT,)),
        ],
    )
    def gather(ids_hbm, tok_hbm, dep_hbm, out_hbm, idx_all, buf, isem, osem):
        del dep_hbm
        wid = lax.axis_index("s") * NC + lax.axis_index("c")
        s0 = wid * s_per_w

        for b in range(B):
            pltpu.sync_copy(ids_hbm.at[b, pl.ds(s0, s_per_w)], idx_all.at[b])

        def in_copies(c, s):
            sb = c * GS
            return [
                pltpu.make_async_copy(
                    tok_hbm.at[idx_all.at[b, pl.ds(sb, GS)]],
                    buf.at[s, pl.ds(b * GS, GS)],
                    isem.at[s],
                )
                for b in range(B)
            ]

        def out_copies(c, s):
            sb = c * GS
            return [
                pltpu.make_async_copy(
                    buf.at[s, pl.ds(b * GS, GS)],
                    out_hbm.at[b, pl.ds(s0 + sb, GS)],
                    osem.at[s],
                )
                for b in range(B)
            ]

        def fire(cps):
            for cp in cps:
                cp.start()

        def drain(cps):
            for cp in cps:
                cp.wait()

        fire(in_copies(0, 0))
        fire(in_copies(1, 1))

        def chunk_body(c, carry):
            s = lax.rem(c, NSLOT)
            drain(in_copies(c, s))
            fire(out_copies(c, s))

            @pl.when(c + 2 < n_chunks)
            def _refill():
                s2 = lax.rem(c + 2, NSLOT)

                @pl.when(c >= 1)
                def _drain_prev_out():
                    drain(out_copies(c - 1, s2))

                fire(in_copies(c + 2, s2))

            return carry

        lax.fori_loop(0, n_chunks, chunk_body, 0)
        for c in range(max(n_chunks - 3, 0), n_chunks):
            drain(out_copies(c, c % NSLOT))

    return gather


def _ln_body(tok_ref, pos_ref, gam_ref, bet_ref, o_ref):
    x = tok_ref[0] + pos_ref[...]
    mean = jnp.mean(x, axis=-1, keepdims=True)
    var = jnp.mean(x * x, axis=-1, keepdims=True) - mean * mean
    rstd = lax.rsqrt(var + 1e-5)
    o_ref[0] = (x * rstd - mean * rstd) * gam_ref[0] + bet_ref[0]


def _build_ln_first(B, S, D, Sk):
    assert Sk % BS == 0

    return pl.pallas_call(
        _ln_body,
        grid=(Sk // BS, B),
        in_specs=[
            pl.BlockSpec((1, BS, D), lambda i, j: (j, i, 0)),
            pl.BlockSpec((BS, D), lambda i, j: (i, 0)),
            pl.BlockSpec((1, D), lambda i, j: (0, 0)),
            pl.BlockSpec((1, D), lambda i, j: (0, 0)),
        ],
        out_specs=pl.BlockSpec((1, BS, D), lambda i, j: (j, i, 0)),
        out_shape=jax.ShapeDtypeStruct((B, S, D), jnp.float32),
    )


def _build_ln_slice(B, S, D, Sk, k):
    off = k * (Sk // BS)

    def body(tok_ref, pos_ref, gam_ref, bet_ref, prev_ref, o_ref):
        del prev_ref
        _ln_body(tok_ref, pos_ref, gam_ref, bet_ref, o_ref)

    return pl.pallas_call(
        body,
        grid=(Sk // BS, B),
        in_specs=[
            pl.BlockSpec((1, BS, D), lambda i, j: (j, i, 0)),
            pl.BlockSpec((BS, D), lambda i, j: (i, 0)),
            pl.BlockSpec((1, D), lambda i, j: (0, 0)),
            pl.BlockSpec((1, D), lambda i, j: (0, 0)),
            pl.BlockSpec(memory_space=pl.ANY),
        ],
        out_specs=pl.BlockSpec((1, BS, D), lambda i, j: (j, off + i, 0)),
        out_shape=jax.ShapeDtypeStruct((B, S, D), jnp.float32),
        input_output_aliases={4: 0},
    )


def kernel(input_ids, tok_table, pos_table, ln_gamma, ln_beta):
    B, S = input_ids.shape
    _, D = tok_table.shape
    Sk = S // K
    ids = input_ids.astype(jnp.int32)
    gam = ln_gamma.reshape(1, D)
    bet = ln_beta.reshape(1, D)

    sc_gather = _build_gather(B, Sk, D)
    gathered = []
    dep = jnp.zeros((1, 1), jnp.float32)
    for k in range(K):
        g = sc_gather(ids[:, k * Sk:(k + 1) * Sk], tok_table, dep)
        gathered.append(g)
        dep = g[0, :1, :1]

    out = _build_ln_first(B, S, D, Sk)(
        gathered[0], pos_table[:Sk], gam, bet
    )
    for k in range(1, K):
        out = _build_ln_slice(B, S, D, Sk, k)(
            gathered[k], pos_table[k * Sk:(k + 1) * Sk], gam, bet, out
        )
    return out

# --- scband reference (transcript-rebuilt; emitter-appended) ---
"""Pipeline reference for scband-embeddings-12137577579061 (READ-ONLY COPY).

The authoritative reference and input builder live on the scoring server;
editing this copy changes nothing except your own understanding.
"""

import jax, jax.numpy as jnp
import numpy as np

VOCAB = 100000
MAX_POS = 8192
D_MODEL = 1024
BATCH = 4
SEQ = 4096


def setup_inputs(seed: int = 0) -> dict:
    key = jax.random.key(seed)
    k1, k2, k3 = jax.random.split(key, 3)
    input_ids = jax.random.randint(k1, (BATCH, SEQ), 0, VOCAB, dtype=jnp.int64 if jax.config.jax_enable_x64 else jnp.int32)
    tok_table = jax.random.normal(k2, (VOCAB, D_MODEL), dtype=jnp.float32) * 0.02
    pos_table = jax.random.normal(k3, (MAX_POS, D_MODEL), dtype=jnp.float32) * 0.02
    ln_gamma = jnp.ones((D_MODEL,), dtype=jnp.float32)
    ln_beta = jnp.zeros((D_MODEL,), dtype=jnp.float32)
    return {"input_ids": input_ids, "tok_table": tok_table, "pos_table": pos_table, "ln_gamma": ln_gamma, "ln_beta": ln_beta}


def _layer_norm(x, gamma, beta, eps=1e-5):
    mean = jnp.mean(x, axis=-1, keepdims=True)
    var = jnp.mean(jnp.square(x - mean), axis=-1, keepdims=True)
    xhat = (x - mean) * jax.lax.rsqrt(var + eps)
    return xhat * gamma + beta


def reference(input_ids, tok_table, pos_table, ln_gamma, ln_beta):
    batch_size, seq_len = input_ids.shape
    positions = jnp.arange(seq_len)[None, :].repeat(batch_size, axis=0)
    token_embeds = jnp.take(tok_table, input_ids, axis=0)
    pos_embeds = jnp.take(pos_table, positions, axis=0)
    embeddings = token_embeds + pos_embeds
    return _layer_norm(embeddings, ln_gamma, ln_beta)

if __name__ == "__main__":
    import jax
    _d = setup_inputs()
    print(jax.jit(kernel)(*tuple(_d.values())))

</pallas_src>

<mosaic_0001>
#map = affine_map<(d0, d1) -> (0, 0)>
#map1 = affine_map<(d0, d1) -> (0, 0, 0)>
module attributes {stable_mosaic.version = 14 : i64} {
  func.func @gather(%arg0: i32, %arg1: i32, %arg2: memref<4x4096xi32, #tpu.memory_space<hbm>>, %arg3: memref<100000x1024xf32, #tpu.memory_space<hbm>>, %arg4: memref<1x1xf32, #tpu.memory_space<hbm>>, %arg5: memref<4x4096x1024xf32, #tpu.memory_space<hbm>>, %arg6: memref<4x128xi32, #tpu.memory_space<vmem>>, %arg7: memref<3x32x1024xf32, #tpu.memory_space<vmem>>, %arg8: memref<3x!tpu.dma_semaphore, #tpu.memory_space<semaphore_mem>>, %arg9: memref<3x!tpu.dma_semaphore, #tpu.memory_space<semaphore_mem>>) attributes {dimension_semantics = [#tpu.dimension_semantics<core_parallel>, #tpu.dimension_semantics<subcore_parallel>], iteration_bounds = array<i64: 2, 16>, scalar_prefetch = 0 : i64, scratch_operands = 4 : i64, tpu.core_type = #tpu.core_type<sc_vector_subcore>, window_params = [{transform_indices = #map}, {transform_indices = #map}, {transform_indices = #map}, {transform_indices = #map1}]} {
    %mul3A = arith.constant 2 : i32
    %mul3A_0 = arith.muli %arg1, %mul3A : i32
    %add3A = arith.addi %mul3A_0, %arg0 : i32
    %mul3A_1 = arith.constant 128 : i32
    %mul3A_2 = arith.muli %add3A, %mul3A_1 : i32
    %run_scoped3A = arith.constant 0 : i32
    %run_scoped3A_3 = arith.constant 0 : i32
    "tpu.region"() ({
      %run_scoped3A_385 = tpu.sem_alloc : memref<!tpu.dma_semaphore, #tpu.memory_space<semaphore_mem>>
      %dma_start3A_386 = arith.constant 0 : i32
      %dma_start3A_387 = tpu.memref_slice %arg6[%run_scoped3A_3, %dma_start3A_386] : memref<4x128xi32, #tpu.memory_space<vmem>> -> memref<1x128xi32, #tpu.memory_space<vmem>>
      %dma_start3A_388 = tpu.memref_squeeze %dma_start3A_387 : memref<1x128xi32, #tpu.memory_space<vmem>> -> memref<128xi32, #tpu.memory_space<vmem>>
      %dma_start3A_389 = tpu.memref_slice %arg2[%run_scoped3A, %mul3A_2] : memref<4x4096xi32, #tpu.memory_space<hbm>> -> memref<1x128xi32, #tpu.memory_space<hbm>>
      %dma_start3A_390 = tpu.memref_squeeze %dma_start3A_389 : memref<1x128xi32, #tpu.memory_space<hbm>> -> memref<128xi32, #tpu.memory_space<hbm>>
      %dma_start3A_391 = arith.constant 0 : i32
      %dma_start3A_392 = tpu.memref_slice %arg6[%run_scoped3A_3, %dma_start3A_391] : memref<4x128xi32, #tpu.memory_space<vmem>> -> memref<1x128xi32, #tpu.memory_space<vmem>>
      %dma_start3A_393 = tpu.memref_squeeze %dma_start3A_392 : memref<1x128xi32, #tpu.memory_space<vmem>> -> memref<128xi32, #tpu.memory_space<vmem>>
      %dma_start3A_394 = tpu.memref_slice %arg2[%run_scoped3A, %mul3A_2] : memref<4x4096xi32, #tpu.memory_space<hbm>> -> memref<1x128xi32, #tpu.memory_space<hbm>>
      %dma_start3A_395 = tpu.memref_squeeze %dma_start3A_394 : memref<1x128xi32, #tpu.memory_space<hbm>> -> memref<128xi32, #tpu.memory_space<hbm>>
      tpu.enqueue_dma source(%dma_start3A_395 : memref<128xi32, #tpu.memory_space<hbm>>) target(%dma_start3A_393 : memref<128xi32, #tpu.memory_space<vmem>>) target_semaphore(%run_scoped3A_385 : memref<!tpu.dma_semaphore, #tpu.memory_space<semaphore_mem>>)
      %dma_wait3A_396 = arith.constant 0 : i32
      %dma_wait3A_397 = tpu.memref_slice %arg6[%run_scoped3A_3, %dma_wait3A_396] : memref<4x128xi32, #tpu.memory_space<vmem>> -> memref<1x128xi32, #tpu.memory_space<vmem>>
      %dma_wait3A_398 = tpu.memref_squeeze %dma_wait3A_397 : memref<1x128xi32, #tpu.memory_space<vmem>> -> memref<128xi32, #tpu.memory_space<vmem>>
      %dma_wait3A_399 = tpu.memref_slice %arg2[%run_scoped3A, %mul3A_2] : memref<4x4096xi32, #tpu.memory_space<hbm>> -> memref<1x128xi32, #tpu.memory_space<hbm>>
      %dma_wait3A_400 = tpu.memref_squeeze %dma_wait3A_399 : memref<1x128xi32, #tpu.memory_space<hbm>> -> memref<128xi32, #tpu.memory_space<hbm>>
      %dma_wait3A_401 = arith.constant 0 : i32
      %dma_wait3A_402 = tpu.memref_slice %arg6[%run_scoped3A_3, %dma_wait3A_401] : memref<4x128xi32, #tpu.memory_space<vmem>> -> memref<1x128xi32, #tpu.memory_space<vmem>>
      %dma_wait3A_403 = tpu.memref_squeeze %dma_wait3A_402 : memref<1x128xi32, #tpu.memory_space<vmem>> -> memref<128xi32, #tpu.memory_space<vmem>>
      %dma_wait3A_404 = tpu.memref_slice %arg2[%run_scoped3A, %mul3A_2] : memref<4x4096xi32, #tpu.memory_space<hbm>> -> memref<1x128xi32, #tpu.memory_space<hbm>>
      %dma_wait3A_405 = tpu.memref_squeeze %dma_wait3A_404 : memref<1x128xi32, #tpu.memory_space<hbm>> -> memref<128xi32, #tpu.memory_space<hbm>>
      tpu.wait_dma2 semaphore(%run_scoped3A_385 : memref<!tpu.dma_semaphore, #tpu.memory_space<semaphore_mem>>) src(%dma_wait3A_405 : memref<128xi32, #tpu.memory_space<hbm>>) dst(%dma_wait3A_403 : memref<128xi32, #tpu.memory_space<vmem>>)
      tpu.yield
    }) : () -> ()
    %run_scoped3A_4 = arith.constant 1 : i32
    %run_scoped3A_5 = arith.constant 1 : i32
    "tpu.region"() ({
      %run_scoped3A_385 = tpu.sem_alloc : memref<!tpu.dma_semaphore, #tpu.memory_space<semaphore_mem>>
      %dma_start3A_386 = arith.constant 0 : i32
      %dma_start3A_387 = tpu.memref_slice %arg6[%run_scoped3A_5, %dma_start3A_386] : memref<4x128xi32, #tpu.memory_space<vmem>> -> memref<1x128xi32, #tpu.memory_space<vmem>>
      %dma_start3A_388 = tpu.memref_squeeze %dma_start3A_387 : memref<1x128xi32, #tpu.memory_space<vmem>> -> memref<128xi32, #tpu.memory_space<vmem>>
      %dma_start3A_389 = tpu.memref_slice %arg2[%run_scoped3A_4, %mul3A_2] : memref<4x4096xi32, #tpu.memory_space<hbm>> -> memref<1x128xi32, #tpu.memory_space<hbm>>
      %dma_start3A_390 = tpu.memref_squeeze %dma_start3A_389 : memref<1x128xi32, #tpu.memory_space<hbm>> -> memref<128xi32, #tpu.memory_space<hbm>>
      %dma_start3A_391 = arith.constant 0 : i32
      %dma_start3A_392 = tpu.memref_slice %arg6[%run_scoped3A_5, %dma_start3A_391] : memref<4x128xi32, #tpu.memory_space<vmem>> -> memref<1x128xi32, #tpu.memory_space<vmem>>
      %dma_start3A_393 = tpu.memref_squeeze %dma_start3A_392 : memref<1x128xi32, #tpu.memory_space<vmem>> -> memref<128xi32, #tpu.memory_space<vmem>>
      %dma_start3A_394 = tpu.memref_slice %arg2[%run_scoped3A_4, %mul3A_2] : memref<4x4096xi32, #tpu.memory_space<hbm>> -> memref<1x128xi32, #tpu.memory_space<hbm>>
      %dma_start3A_395 = tpu.memref_squeeze %dma_start3A_394 : memref<1x128xi32, #tpu.memory_space<hbm>> -> memref<128xi32, #tpu.memory_space<hbm>>
      tpu.enqueue_dma source(%dma_start3A_395 : memref<128xi32, #tpu.memory_space<hbm>>) target(%dma_start3A_393 : memref<128xi32, #tpu.memory_space<vmem>>) target_semaphore(%run_scoped3A_385 : memref<!tpu.dma_semaphore, #tpu.memory_space<semaphore_mem>>)
      %dma_wait3A_396 = arith.constant 0 : i32
      %dma_wait3A_397 = tpu.memref_slice %arg6[%run_scoped3A_5, %dma_wait3A_396] : memref<4x128xi32, #tpu.memory_space<vmem>> -> memref<1x128xi32, #tpu.memory_space<vmem>>
      %dma_wait3A_398 = tpu.memref_squeeze %dma_wait3A_397 : memref<1x128xi32, #tpu.memory_space<vmem>> -> memref<128xi32, #tpu.memory_space<vmem>>
      %dma_wait3A_399 = tpu.memref_slice %arg2[%run_scoped3A_4, %mul3A_2] : memref<4x4096xi32, #tpu.memory_space<hbm>> -> memref<1x128xi32, #tpu.memory_space<hbm>>
      %dma_wait3A_400 = tpu.memref_squeeze %dma_wait3A_399 : memref<1x128xi32, #tpu.memory_space<hbm>> -> memref<128xi32, #tpu.memory_space<hbm>>
      %dma_wait3A_401 = arith.constant 0 : i32
      %dma_wait3A_402 = tpu.memref_slice %arg6[%run_scoped3A_5, %dma_wait3A_401] : memref<4x128xi32, #tpu.memory_space<vmem>> -> memref<1x128xi32, #tpu.memory_space<vmem>>
      %dma_wait3A_403 = tpu.memref_squeeze %dma_wait3A_402 : memref<1x128xi32, #tpu.memory_space<vmem>> -> memref<128xi32, #tpu.memory_space<vmem>>
      %dma_wait3A_404 = tpu.memref_slice %arg2[%run_scoped3A_4, %mul3A_2] : memref<4x4096xi32, #tpu.memory_space<hbm>> -> memref<1x128xi32, #tpu.memory_space<hbm>>
      %dma_wait3A_405 = tpu.memref_squeeze %dma_wait3A_404 : memref<1x128xi32, #tpu.memory_space<hbm>> -> memref<128xi32, #tpu.memory_space<hbm>>
      tpu.wait_dma2 semaphore(%run_scoped3A_385 : memref<!tpu.dma_semaphore, #tpu.memory_space<semaphore_mem>>) src(%dma_wait3A_405 : memref<128xi32, #tpu.memory_space<hbm>>) dst(%dma_wait3A_403 : memref<128xi32, #tpu.memory_space<vmem>>)
      tpu.yield
    }) : () -> ()
    %run_scoped3A_6 = arith.constant 2 : i32
    %run_scoped3A_7 = arith.constant 2 : i32
    "tpu.region"() ({
      %run_scoped3A_385 = tpu.sem_alloc : memref<!tpu.dma_semaphore, #tpu.memory_space<semaphore_mem>>
      %dma_start3A_386 = arith.constant 0 : i32
      %dma_start3A_387 = tpu.memref_slice %arg6[%run_scoped3A_7, %dma_start3A_386] : memref<4x128xi32, #tpu.memory_space<vmem>> -> memref<1x128xi32, #tpu.memory_space<vmem>>
      %dma_start3A_388 = tpu.memref_squeeze %dma_start3A_387 : memref<1x128xi32, #tpu.memory_space<vmem>> -> memref<128xi32, #tpu.memory_space<vmem>>
      %dma_start3A_389 = tpu.memref_slice %arg2[%run_scoped3A_6, %mul3A_2] : memref<4x4096xi32, #tpu.memory_space<hbm>> -> memref<1x128xi32, #tpu.memory_space<hbm>>
      %dma_start3A_390 = tpu.memref_squeeze %dma_start3A_389 : memref<1x128xi32, #tpu.memory_space<hbm>> -> memref<128xi32, #tpu.memory_space<hbm>>
      %dma_start3A_391 = arith.constant 0 : i32
      %dma_start3A_392 = tpu.memref_slice %arg6[%run_scoped3A_7, %dma_start3A_391] : memref<4x128xi32, #tpu.memory_space<vmem>> -> memref<1x128xi32, #tpu.memory_space<vmem>>
      %dma_start3A_393 = tpu.memref_squeeze %dma_start3A_392 : memref<1x128xi32, #tpu.memory_space<vmem>> -> memref<128xi32, #tpu.memory_space<vmem>>
      %dma_start3A_394 = tpu.memref_slice %arg2[%run_scoped3A_6, %mul3A_2] : memref<4x4096xi32, #tpu.memory_space<hbm>> -> memref<1x128xi32, #tpu.memory_space<hbm>>
      %dma_start3A_395 = tpu.memref_squeeze %dma_start3A_394 : memref<1x128xi32, #tpu.memory_space<hbm>> -> memref<128xi32, #tpu.memory_space<hbm>>
      tpu.enqueue_dma source(%dma_start3A_395 : memref<128xi32, #tpu.memory_space<hbm>>) target(%dma_start3A_393 : memref<128xi32, #tpu.memory_space<vmem>>) target_semaphore(%run_scoped3A_385 : memref<!tpu.dma_semaphore, #tpu.memory_space<semaphore_mem>>)
      %dma_wait3A_396 = arith.constant 0 : i32
      %dma_wait3A_397 = tpu.memref_slice %arg6[%run_scoped3A_7, %dma_wait3A_396] : memref<4x128xi32, #tpu.memory_space<vmem>> -> memref<1x128xi32, #tpu.memory_space<vmem>>
      %dma_wait3A_398 = tpu.memref_squeeze %dma_wait3A_397 : memref<1x128xi32, #tpu.memory_space<vmem>> -> memref<128xi32, #tpu.memory_space<vmem>>
      %dma_wait3A_399 = tpu.memref_slice %arg2[%run_scoped3A_6, %mul3A_2] : memref<4x4096xi32, #tpu.memory_space<hbm>> -> memref<1x128xi32, #tpu.memory_space<hbm>>
      %dma_wait3A_400 = tpu.memref_squeeze %dma_wait3A_399 : memref<1x128xi32, #tpu.memory_space<hbm>> -> memref<128xi32, #tpu.memory_space<hbm>>
      %dma_wait3A_401 = arith.constant 0 : i32
      %dma_wait3A_402 = tpu.memref_slice %arg6[%run_scoped3A_7, %dma_wait3A_401] : memref<4x128xi32, #tpu.memory_space<vmem>> -> memref<1x128xi32, #tpu.memory_space<vmem>>
      %dma_wait3A_403 = tpu.memref_squeeze %dma_wait3A_402 : memref<1x128xi32, #tpu.memory_space<vmem>> -> memref<128xi32, #tpu.memory_space<vmem>>
      %dma_wait3A_404 = tpu.memref_slice %arg2[%run_scoped3A_6, %mul3A_2] : memref<4x4096xi32, #tpu.memory_space<hbm>> -> memref<1x128xi32, #tpu.memory_space<hbm>>
      %dma_wait3A_405 = tpu.memref_squeeze %dma_wait3A_404 : memref<1x128xi32, #tpu.memory_space<hbm>> -> memref<128xi32, #tpu.memory_space<hbm>>
      tpu.wait_dma2 semaphore(%run_scoped3A_385 : memref<!tpu.dma_semaphore, #tpu.memory_space<semaphore_mem>>) src(%dma_wait3A_405 : memref<128xi32, #tpu.memory_space<hbm>>) dst(%dma_wait3A_403 : memref<128xi32, #tpu.memory_space<vmem>>)
      tpu.yield
    }) : () -> ()
    %run_scoped3A_8 = arith.constant 3 : i32
    %run_scoped3A_9 = arith.constant 3 : i32
    "tpu.region"() ({
      %run_scoped3A_385 = tpu.sem_alloc : memref<!tpu.dma_semaphore, #tpu.memory_space<semaphore_mem>>
      %dma_start3A_386 = arith.constant 0 : i32
      %dma_start3A_387 = tpu.memref_slice %arg6[%run_scoped3A_9, %dma_start3A_386] : memref<4x128xi32, #tpu.memory_space<vmem>> -> memref<1x128xi32, #tpu.memory_space<vmem>>
      %dma_start3A_388 = tpu.memref_squeeze %dma_start3A_387 : memref<1x128xi32, #tpu.memory_space<vmem>> -> memref<128xi32, #tpu.memory_space<vmem>>
      %dma_start3A_389 = tpu.memref_slice %arg2[%run_scoped3A_8, %mul3A_2] : memref<4x4096xi32, #tpu.memory_space<hbm>> -> memref<1x128xi32, #tpu.memory_space<hbm>>
      %dma_start3A_390 = tpu.memref_squeeze %dma_start3A_389 : memref<1x128xi32, #tpu.memory_space<hbm>> -> memref<128xi32, #tpu.memory_space<hbm>>
      %dma_start3A_391 = arith.constant 0 : i32
      %dma_start3A_392 = tpu.memref_slice %arg6[%run_scoped3A_9, %dma_start3A_391] : memref<4x128xi32, #tpu.memory_space<vmem>> -> memref<1x128xi32, #tpu.memory_space<vmem>>
      %dma_start3A_393 = tpu.memref_squeeze %dma_start3A_392 : memref<1x128xi32, #tpu.memory_space<vmem>> -> memref<128xi32, #tpu.memory_space<vmem>>
      %dma_start3A_394 = tpu.memref_slice %arg2[%run_scoped3A_8, %mul3A_2] : memref<4x4096xi32, #tpu.memory_space<hbm>> -> memref<1x128xi32, #tpu.memory_space<hbm>>
      %dma_start3A_395 = tpu.memref_squeeze %dma_start3A_394 : memref<1x128xi32, #tpu.memory_space<hbm>> -> memref<128xi32, #tpu.memory_space<hbm>>
      tpu.enqueue_dma source(%dma_start3A_395 : memref<128xi32, #tpu.memory_space<hbm>>) target(%dma_start3A_393 : memref<128xi32, #tpu.memory_space<vmem>>) target_semaphore(%run_scoped3A_385 : memref<!tpu.dma_semaphore, #tpu.memory_space<semaphore_mem>>)
      %dma_wait3A_396 = arith.constant 0 : i32
      %dma_wait3A_397 = tpu.memref_slice %arg6[%run_scoped3A_9, %dma_wait3A_396] : memref<4x128xi32, #tpu.memory_space<vmem>> -> memref<1x128xi32, #tpu.memory_space<vmem>>
      %dma_wait3A_398 = tpu.memref_squeeze %dma_wait3A_397 : memref<1x128xi32, #tpu.memory_space<vmem>> -> memref<128xi32, #tpu.memory_space<vmem>>
      %dma_wait3A_399 = tpu.memref_slice %arg2[%run_scoped3A_8, %mul3A_2] : memref<4x4096xi32, #tpu.memory_space<hbm>> -> memref<1x128xi32, #tpu.memory_space<hbm>>
      %dma_wait3A_400 = tpu.memref_squeeze %dma_wait3A_399 : memref<1x128xi32, #tpu.memory_space<hbm>> -> memref<128xi32, #tpu.memory_space<hbm>>
      %dma_wait3A_401 = arith.constant 0 : i32
      %dma_wait3A_402 = tpu.memref_slice %arg6[%run_scoped3A_9, %dma_wait3A_401] : memref<4x128xi32, #tpu.memory_space<vmem>> -> memref<1x128xi32, #tpu.memory_space<vmem>>
      %dma_wait3A_403 = tpu.memref_squeeze %dma_wait3A_402 : memref<1x128xi32, #tpu.memory_space<vmem>> -> memref<128xi32, #tpu.memory_space<vmem>>
      %dma_wait3A_404 = tpu.memref_slice %arg2[%run_scoped3A_8, %mul3A_2] : memref<4x4096xi32, #tpu.memory_space<hbm>> -> memref<1x128xi32, #tpu.memory_space<hbm>>
      %dma_wait3A_405 = tpu.memref_squeeze %dma_wait3A_404 : memref<1x128xi32, #tpu.memory_space<hbm>> -> memref<128xi32, #tpu.memory_space<hbm>>
      tpu.wait_dma2 semaphore(%run_scoped3A_385 : memref<!tpu.dma_semaphore, #tpu.memory_space<semaphore_mem>>) src(%dma_wait3A_405 : memref<128xi32, #tpu.memory_space<hbm>>) dst(%dma_wait3A_403 : memref<128xi32, #tpu.memory_space<vmem>>)
      tpu.yield
    }) : () -> ()
    %dma_start3A = arith.constant 0 : i32
    %dma_start3A_10 = arith.constant 0 : i32
    %dma_start3A_11 = arith.constant 0 : i32
    %dma_start3A_12 = arith.constant 0 : i32
    %dma_start3A_13 = arith.constant 0 : i32
    %dma_start3A_14 = tpu.memref_slice %arg7[%dma_start3A_10, %dma_start3A_12, %dma_start3A_13] : memref<3x32x1024xf32, #tpu.memory_space<vmem>> -> memref<1x8x1024xf32, #tpu.memory_space<vmem>>
    %dma_start3A_15 = tpu.memref_squeeze %dma_start3A_14 : memref<1x8x1024xf32, #tpu.memory_space<vmem>> -> memref<8x1024xf32, #tpu.memory_space<vmem>>
    %dma_start3A_16 = arith.constant 0 : i32
    %dma_start3A_17 = tpu.memref_slice %arg6[%dma_start3A, %dma_start3A_16] : memref<4x128xi32, #tpu.memory_space<vmem>> -> memref<1x8xi32, #tpu.memory_space<vmem>>
    %dma_start3A_18 = tpu.memref_squeeze %dma_start3A_17 : memref<1x8xi32, #tpu.memory_space<vmem>> -> memref<8xi32, #tpu.memory_space<vmem>>
    %dma_start3A_19 = arith.constant 0 : i32
    %dma_start3A_20 = arith.constant 0 : i32
    %dma_start3A_21 = tpu.memref_slice %arg3[%dma_start3A_19, %dma_start3A_20] : memref<100000x1024xf32, #tpu.memory_space<hbm>> -> memref<100000x1024xf32, #tpu.memory_space<hbm>>
    %dma_start3A_22 = tpu.memref_slice %arg8[%dma_start3A_11] : memref<3x!tpu.dma_semaphore, #tpu.memory_space<semaphore_mem>> -> memref<1x!tpu.dma_semaphore, #tpu.memory_space<semaphore_mem>>
    %dma_start3A_23 = tpu.memref_squeeze %dma_start3A_22 : memref<1x!tpu.dma_semaphore, #tpu.memory_space<semaphore_mem>> -> memref<!tpu.dma_semaphore, #tpu.memory_space<semaphore_mem>>
    tpu.enqueue_indirect_dma source(%dma_start3A_21 : memref<100000x1024xf32, #tpu.memory_space<hbm>>) target(%dma_start3A_15 : memref<8x1024xf32, #tpu.memory_space<vmem>>) offsets(%dma_start3A_18 : memref<8xi32, #tpu.memory_space<vmem>>) semaphore(%dma_start3A_23 : memref<!tpu.dma_semaphore, #tpu.memory_space<semaphore_mem>>)
    %dma_start3A_24 = arith.constant 1 : i32
    %dma_start3A_25 = arith.constant 0 : i32
    %dma_start3A_26 = arith.constant 0 : i32
    %dma_start3A_27 = arith.constant 8 : i32
    %dma_start3A_28 = arith.constant 0 : i32
    %dma_start3A_29 = tpu.memref_slice %arg7[%dma_start3A_25, %dma_start3A_27, %dma_start3A_28] : memref<3x32x1024xf32, #tpu.memory_space<vmem>> -> memref<1x8x1024xf32, #tpu.memory_space<vmem>>
    %dma_start3A_30 = tpu.memref_squeeze %dma_start3A_29 : memref<1x8x1024xf32, #tpu.memory_space<vmem>> -> memref<8x1024xf32, #tpu.memory_space<vmem>>
    %dma_start3A_31 = arith.constant 0 : i32
    %dma_start3A_32 = tpu.memref_slice %arg6[%dma_start3A_24, %dma_start3A_31] : memref<4x128xi32, #tpu.memory_space<vmem>> -> memref<1x8xi32, #tpu.memory_space<vmem>>
    %dma_start3A_33 = tpu.memref_squeeze %dma_start3A_32 : memref<1x8xi32, #tpu.memory_space<vmem>> -> memref<8xi32, #tpu.memory_space<vmem>>
    %dma_start3A_34 = arith.constant 0 : i32
    %dma_start3A_35 = arith.constant 0 : i32
    %dma_start3A_36 = tpu.memref_slice %arg3[%dma_start3A_34, %dma_start3A_35] : memref<100000x1024xf32, #tpu.memory_space<hbm>> -> memref<100000x1024xf32, #tpu.memory_space<hbm>>
    %dma_start3A_37 = tpu.memref_slice %arg8[%dma_start3A_26] : memref<3x!tpu.dma_semaphore, #tpu.memory_space<semaphore_mem>> -> memref<1x!tpu.dma_semaphore, #tpu.memory_space<semaphore_mem>>
    %dma_start3A_38 = tpu.memref_squeeze %dma_start3A_37 : memref<1x!tpu.dma_semaphore, #tpu.memory_space<semaphore_mem>> -> memref<!tpu.dma_semaphore, #tpu.memory_space<semaphore_mem>>
    tpu.enqueue_indirect_dma source(%dma_start3A_36 : memref<100000x1024xf32, #tpu.memory_space<hbm>>) target(%dma_start3A_30 : memref<8x1024xf32, #tpu.memory_space<vmem>>) offsets(%dma_start3A_33 : memref<8xi32, #tpu.memory_space<vmem>>) semaphore(%dma_start3A_38 : memref<!tpu.dma_semaphore, #tpu.memory_space<semaphore_mem>>)
    %dma_start3A_39 = arith.constant 2 : i32
    %dma_start3A_40 = arith.constant 0 : i32
    %dma_start3A_41 = arith.constant 0 : i32
    %dma_start3A_42 = arith.constant 16 : i32
    %dma_start3A_43 = arith.constant 0 : i32
    %dma_start3A_44 = tpu.memref_slice %arg7[%dma_start3A_40, %dma_start3A_42, %dma_start3A_43] : memref<3x32x1024xf32, #tpu.memory_space<vmem>> -> memref<1x8x1024xf32, #tpu.memory_space<vmem>>
    %dma_start3A_45 = tpu.memref_squeeze %dma_start3A_44 : memref<1x8x1024xf32, #tpu.memory_space<vmem>> -> memref<8x1024xf32, #tpu.memory_space<vmem>>
    %dma_start3A_46 = arith.constant 0 : i32
    %dma_start3A_47 = tpu.memref_slice %arg6[%dma_start3A_39, %dma_start3A_46] : memref<4x128xi32, #tpu.memory_space<vmem>> -> memref<1x8xi32, #tpu.memory_space<vmem>>
    %dma_start3A_48 = tpu.memref_squeeze %dma_start3A_47 : memref<1x8xi32, #tpu.memory_space<vmem>> -> memref<8xi32, #tpu.memory_space<vmem>>
    %dma_start3A_49 = arith.constant 0 : i32
    %dma_start3A_50 = arith.constant 0 : i32
    %dma_start3A_51 = tpu.memref_slice %arg3[%dma_start3A_49, %dma_start3A_50] : memref<100000x1024xf32, #tpu.memory_space<hbm>> -> memref<100000x1024xf32, #tpu.memory_space<hbm>>
    %dma_start3A_52 = tpu.memref_slice %arg8[%dma_start3A_41] : memref<3x!tpu.dma_semaphore, #tpu.memory_space<semaphore_mem>> -> memref<1x!tpu.dma_semaphore, #tpu.memory_space<semaphore_mem>>
    %dma_start3A_53 = tpu.memref_squeeze %dma_start3A_52 : memref<1x!tpu.dma_semaphore, #tpu.memory_space<semaphore_mem>> -> memref<!tpu.dma_semaphore, #tpu.memory_space<semaphore_mem>>
    tpu.enqueue_indirect_dma source(%dma_start3A_51 : memref<100000x1024xf32, #tpu.memory_space<hbm>>) target(%dma_start3A_45 : memref<8x1024xf32, #tpu.memory_space<vmem>>) offsets(%dma_start3A_48 : memref<8xi32, #tpu.memory_space<vmem>>) semaphore(%dma_start3A_53 : memref<!tpu.dma_semaphore, #tpu.memory_space<semaphore_mem>>)
    %dma_start3A_54 = arith.constant 3 : i32
    %dma_start3A_55 = arith.constant 0 : i32
    %dma_start3A_56 = arith.constant 0 : i32
    %dma_start3A_57 = arith.constant 24 : i32
    %dma_start3A_58 = arith.constant 0 : i32
    %dma_start3A_59 = tpu.memref_slice %arg7[%dma_start3A_55, %dma_start3A_57, %dma_start3A_58] : memref<3x32x1024xf32, #tpu.memory_space<vmem>> -> memref<1x8x1024xf32, #tpu.memory_space<vmem>>
    %dma_start3A_60 = tpu.memref_squeeze %dma_start3A_59 : memref<1x8x1024xf32, #tpu.memory_space<vmem>> -> memref<8x1024xf32, #tpu.memory_space<vmem>>
    %dma_start3A_61 = arith.constant 0 : i32
    %dma_start3A_62 = tpu.memref_slice %arg6[%dma_start3A_54, %dma_start3A_61] : memref<4x128xi32, #tpu.memory_space<vmem>> -> memref<1x8xi32, #tpu.memory_space<vmem>>
    %dma_start3A_63 = tpu.memref_squeeze %dma_start3A_62 : memref<1x8xi32, #tpu.memory_space<vmem>> -> memref<8xi32, #tpu.memory_space<vmem>>
    %dma_start3A_64 = arith.constant 0 : i32
    %dma_start3A_65 = arith.constant 0 : i32
    %dma_start3A_66 = tpu.memref_slice %arg3[%dma_start3A_64, %dma_start3A_65] : memref<100000x1024xf32, #tpu.memory_space<hbm>> -> memref<100000x1024xf32, #tpu.memory_space<hbm>>
    %dma_start3A_67 = tpu.memref_slice %arg8[%dma_start3A_56] : memref<3x!tpu.dma_semaphore, #tpu.memory_space<semaphore_mem>> -> memref<1x!tpu.dma_semaphore, #tpu.memory_space<semaphore_mem>>
    %dma_start3A_68 = tpu.memref_squeeze %dma_start3A_67 : memref<1x!tpu.dma_semaphore, #tpu.memory_space<semaphore_mem>> -> memref<!tpu.dma_semaphore, #tpu.memory_space<semaphore_mem>>
    tpu.enqueue_indirect_dma source(%dma_start3A_66 : memref<100000x1024xf32, #tpu.memory_space<hbm>>) target(%dma_start3A_60 : memref<8x1024xf32, #tpu.memory_space<vmem>>) offsets(%dma_start3A_63 : memref<8xi32, #tpu.memory_space<vmem>>) semaphore(%dma_start3A_68 : memref<!tpu.dma_semaphore, #tpu.memory_space<semaphore_mem>>)
    %dma_start3A_69 = arith.constant 0 : i32
    %dma_start3A_70 = arith.constant 1 : i32
    %dma_start3A_71 = arith.constant 1 : i32
    %dma_start3A_72 = arith.constant 0 : i32
    %dma_start3A_73 = arith.constant 0 : i32
    %dma_start3A_74 = tpu.memref_slice %arg7[%dma_start3A_70, %dma_start3A_72, %dma_start3A_73] : memref<3x32x1024xf32, #tpu.memory_space<vmem>> -> memref<1x8x1024xf32, #tpu.memory_space<vmem>>
    %dma_start3A_75 = tpu.memref_squeeze %dma_start3A_74 : memref<1x8x1024xf32, #tpu.memory_space<vmem>> -> memref<8x1024xf32, #tpu.memory_space<vmem>>
    %dma_start3A_76 = arith.constant 8 : i32
    %dma_start3A_77 = tpu.memref_slice %arg6[%dma_start3A_69, %dma_start3A_76] : memref<4x128xi32, #tpu.memory_space<vmem>> -> memref<1x8xi32, #tpu.memory_space<vmem>>
    %dma_start3A_78 = tpu.memref_squeeze %dma_start3A_77 : memref<1x8xi32, #tpu.memory_space<vmem>> -> memref<8xi32, #tpu.memory_space<vmem>>
    %dma_start3A_79 = arith.constant 0 : i32
    %dma_start3A_80 = arith.constant 0 : i32
    %dma_start3A_81 = tpu.memref_slice %arg3[%dma_start3A_79, %dma_start3A_80] : memref<100000x1024xf32, #tpu.memory_space<hbm>> -> memref<100000x1024xf32, #tpu.memory_space<hbm>>
    %dma_start3A_82 = tpu.memref_slice %arg8[%dma_start3A_71] : memref<3x!tpu.dma_semaphore, #tpu.memory_space<semaphore_mem>> -> memref<1x!tpu.dma_semaphore, #tpu.memory_space<semaphore_mem>>
    %dma_start3A_83 = tpu.memref_squeeze %dma_start3A_82 : memref<1x!tpu.dma_semaphore, #tpu.memory_space<semaphore_mem>> -> memref<!tpu.dma_semaphore, #tpu.memory_space<semaphore_mem>>
    tpu.enqueue_indirect_dma source(%dma_start3A_81 : memref<100000x1024xf32, #tpu.memory_space<hbm>>) target(%dma_start3A_75 : memref<8x1024xf32, #tpu.memory_space<vmem>>) offsets(%dma_start3A_78 : memref<8xi32, #tpu.memory_space<vmem>>) semaphore(%dma_start3A_83 : memref<!tpu.dma_semaphore, #tpu.memory_space<semaphore_mem>>)
    %dma_start3A_84 = arith.constant 1 : i32
    %dma_start3A_85 = arith.constant 1 : i32
    %dma_start3A_86 = arith.constant 1 : i32
    %dma_start3A_87 = arith.constant 8 : i32
    %dma_start3A_88 = arith.constant 0 : i32
    %dma_start3A_89 = tpu.memref_slice %arg7[%dma_start3A_85, %dma_start3A_87, %dma_start3A_88] : memref<3x32x1024xf32, #tpu.memory_space<vmem>> -> memref<1x8x1024xf32, #tpu.memory_space<vmem>>
    %dma_start3A_90 = tpu.memref_squeeze %dma_start3A_89 : memref<1x8x1024xf32, #tpu.memory_space<vmem>> -> memref<8x1024xf32, #tpu.memory_space<vmem>>
    %dma_start3A_91 = arith.constant 8 : i32
    %dma_start3A_92 = tpu.memref_slice %arg6[%dma_start3A_84, %dma_start3A_91] : memref<4x128xi32, #tpu.memory_space<vmem>> -> memref<1x8xi32, #tpu.memory_space<vmem>>
    %dma_start3A_93 = tpu.memref_squeeze %dma_start3A_92 : memref<1x8xi32, #tpu.memory_space<vmem>> -> memref<8xi32, #tpu.memory_space<vmem>>
    %dma_start3A_94 = arith.constant 0 : i32
    %dma_start3A_95 = arith.constant 0 : i32
    %dma_start3A_96 = tpu.memref_slice %arg3[%dma_start3A_94, %dma_start3A_95] : memref<100000x1024xf32, #tpu.memory_space<hbm>> -> memref<100000x1024xf32, #tpu.memory_space<hbm>>
    %dma_start3A_97 = tpu.memref_slice %arg8[%dma_start3A_86] : memref<3x!tpu.dma_semaphore, #tpu.memory_space<semaphore_mem>> -> memref<1x!tpu.dma_semaphore, #tpu.memory_space<semaphore_mem>>
    %dma_start3A_98 = tpu.memref_squeeze %dma_start3A_97 : memref<1x!tpu.dma_semaphore, #tpu.memory_space<semaphore_mem>> -> memref<!tpu.dma_semaphore, #tpu.memory_space<semaphore_mem>>
    tpu.enqueue_indirect_dma source(%dma_start3A_96 : memref<100000x1024xf32, #tpu.memory_space<hbm>>) target(%dma_start3A_90 : memref<8x1024xf32, #tpu.memory_space<vmem>>) offsets(%dma_start3A_93 : memref<8xi32, #tpu.memory_space<vmem>>) semaphore(%dma_start3A_98 : memref<!tpu.dma_semaphore, #tpu.memory_space<semaphore_mem>>)
    %dma_start3A_99 = arith.constant 2 : i32
    %dma_start3A_100 = arith.constant 1 : i32
    %dma_start3A_101 = arith.constant 1 : i32
    %dma_start3A_102 = arith.constant 16 : i32
    %dma_start3A_103 = arith.constant 0 : i32
    %dma_start3A_104 = tpu.memref_slice %arg7[%dma_start3A_100, %dma_start3A_102, %dma_start3A_103] : memref<3x32x1024xf32, #tpu.memory_space<vmem>> -> memref<1x8x1024xf32, #tpu.memory_space<vmem>>
    %dma_start3A_105 = tpu.memref_squeeze %dma_start3A_104 : memref<1x8x1024xf32, #tpu.memory_space<vmem>> -> memref<8x1024xf32, #tpu.memory_space<vmem>>
    %dma_start3A_106 = arith.constant 8 : i32
    %dma_start3A_107 = tpu.memref_slice %arg6[%dma_start3A_99, %dma_start3A_106] : memref<4x128xi32, #tpu.memory_space<vmem>> -> memref<1x8xi32, #tpu.memory_space<vmem>>
    %dma_start3A_108 = tpu.memref_squeeze %dma_start3A_107 : memref<1x8xi32, #tpu.memory_space<vmem>> -> memref<8xi32, #tpu.memory_space<vmem>>
    %dma_start3A_109 = arith.constant 0 : i32
    %dma_start3A_110 = arith.constant 0 : i32
    %dma_start3A_111 = tpu.memref_slice %arg3[%dma_start3A_109, %dma_start3A_110] : memref<100000x1024xf32, #tpu.memory_space<hbm>> -> memref<100000x1024xf32, #tpu.memory_space<hbm>>
    %dma_start3A_112 = tpu.memref_slice %arg8[%dma_start3A_101] : memref<3x!tpu.dma_semaphore, #tpu.memory_space<semaphore_mem>> -> memref<1x!tpu.dma_semaphore, #tpu.memory_space<semaphore_mem>>
    %dma_start3A_113 = tpu.memref_squeeze %dma_start3A_112 : memref<1x!tpu.dma_semaphore, #tpu.memory_space<semaphore_mem>> -> memref<!tpu.dma_semaphore, #tpu.memory_space<semaphore_mem>>
    tpu.enqueue_indirect_dma source(%dma_start3A_111 : memref<100000x1024xf32, #tpu.memory_space<hbm>>) target(%dma_start3A_105 : memref<8x1024xf32, #tpu.memory_space<vmem>>) offsets(%dma_start3A_108 : memref<8xi32, #tpu.memory_space<vmem>>) semaphore(%dma_start3A_113 : memref<!tpu.dma_semaphore, #tpu.memory_space<semaphore_mem>>)
    %dma_start3A_114 = arith.constant 3 : i32
    %dma_start3A_115 = arith.constant 1 : i32
    %dma_start3A_116 = arith.constant 1 : i32
    %dma_start3A_117 = arith.constant 24 : i32
    %dma_start3A_118 = arith.constant 0 : i32
    %dma_start3A_119 = tpu.memref_slice %arg7[%dma_start3A_115, %dma_start3A_117, %dma_start3A_118] : memref<3x32x1024xf32, #tpu.memory_space<vmem>> -> memref<1x8x1024xf32, #tpu.memory_space<vmem>>
    %dma_start3A_120 = tpu.memref_squeeze %dma_start3A_119 : memref<1x8x1024xf32, #tpu.memory_space<vmem>> -> memref<8x1024xf32, #tpu.memory_space<vmem>>
    %dma_start3A_121 = arith.constant 8 : i32
    %dma_start3A_122 = tpu.memref_slice %arg6[%dma_start3A_114, %dma_start3A_121] : memref<4x128xi32, #tpu.memory_space<vmem>> -> memref<1x8xi32, #tpu.memory_space<vmem>>
    %dma_start3A_123 = tpu.memref_squeeze %dma_start3A_122 : memref<1x8xi32, #tpu.memory_space<vmem>> -> memref<8xi32, #tpu.memory_space<vmem>>
    %dma_start3A_124 = arith.constant 0 : i32
    %dma_start3A_125 = arith.constant 0 : i32
    %dma_start3A_126 = tpu.memref_slice %arg3[%dma_start3A_124, %dma_start3A_125] : memref<100000x1024xf32, #tpu.memory_space<hbm>> -> memref<100000x1024xf32, #tpu.memory_space<hbm>>
    %dma_start3A_127 = tpu.memref_slice %arg8[%dma_start3A_116] : memref<3x!tpu.dma_semaphore, #tpu.memory_space<semaphore_mem>> -> memref<1x!tpu.dma_semaphore, #tpu.memory_space<semaphore_mem>>
    %dma_start3A_128 = tpu.memref_squeeze %dma_start3A_127 : memref<1x!tpu.dma_semaphore, #tpu.memory_space<semaphore_mem>> -> memref<!tpu.dma_semaphore, #tpu.memory_space<semaphore_mem>>
    tpu.enqueue_indirect_dma source(%dma_start3A_126 : memref<100000x1024xf32, #tpu.memory_space<hbm>>) target(%dma_start3A_120 : memref<8x1024xf32, #tpu.memory_space<vmem>>) offsets(%dma_start3A_123 : memref<8xi32, #tpu.memory_space<vmem>>) semaphore(%dma_start3A_128 : memref<!tpu.dma_semaphore, #tpu.memory_space<semaphore_mem>>)
    %scan3A = arith.constant 0 : i32
    %scan3A_129 = arith.constant 0 : i32
    %scan3A_130 = arith.constant 16 : i32
    %scan3A_131 = arith.addi %scan3A_129, %scan3A_130 : i32
    %scan3A_132 = arith.constant 1 : i32
    scf.for %scan3A_385 = %scan3A_129 to %scan3A_131 step %scan3A_132  : i32 {
      %rem3A = arith.constant 3 : i32
      %rem3A_386 = arith.remsi %scan3A_385, %rem3A : i32
      %mul3A_387 = arith.constant 8 : i32
      %mul3A_388 = arith.muli %scan3A_385, %mul3A_387 : i32
      %dma_wait3A_389 = arith.constant 0 : i32
      %dma_wait3A_390 = arith.constant 0 : i32
      %dma_wait3A_391 = arith.constant 0 : i32
      %dma_wait3A_392 = tpu.memref_slice %arg7[%rem3A_386, %dma_wait3A_390, %dma_wait3A_391] : memref<3x32x1024xf32, #tpu.memory_space<vmem>> -> memref<1x8x1024xf32, #tpu.memory_space<vmem>>
      %dma_wait3A_393 = tpu.memref_squeeze %dma_wait3A_392 : memref<1x8x1024xf32, #tpu.memory_space<vmem>> -> memref<8x1024xf32, #tpu.memory_space<vmem>>
      %dma_wait3A_394 = tpu.memref_slice %arg6[%dma_wait3A_389, %mul3A_388] : memref<4x128xi32, #tpu.memory_space<vmem>> -> memref<1x8xi32, #tpu.memory_space<vmem>>
      %dma_wait3A_395 = tpu.memref_squeeze %dma_wait3A_394 : memref<1x8xi32, #tpu.memory_space<vmem>> -> memref<8xi32, #tpu.memory_space<vmem>>
      %dma_wait3A_396 = arith.constant 0 : i32
      %dma_wait3A_397 = arith.constant 0 : i32
      %dma_wait3A_398 = tpu.memref_slice %arg3[%dma_wait3A_396, %dma_wait3A_397] : memref<100000x1024xf32, #tpu.memory_space<hbm>> -> memref<100000x1024xf32, #tpu.memory_space<hbm>>
      %dma_wait3A_399 = tpu.memref_slice %arg8[%rem3A_386] : memref<3x!tpu.dma_semaphore, #tpu.memory_space<semaphore_mem>> -> memref<1x!tpu.dma_semaphore, #tpu.memory_space<semaphore_mem>>
      %dma_wait3A_400 = tpu.memref_squeeze %dma_wait3A_399 : memref<1x!tpu.dma_semaphore, #tpu.memory_space<semaphore_mem>> -> memref<!tpu.dma_semaphore, #tpu.memory_space<semaphore_mem>>
      tpu.wait_indirect_dma semaphore(%dma_wait3A_400 : memref<!tpu.dma_semaphore, #tpu.memory_space<semaphore_mem>>) src(%dma_wait3A_398 : memref<100000x1024xf32, #tpu.memory_space<hbm>>) dst(%dma_wait3A_393 : memref<8x1024xf32, #tpu.memory_space<vmem>>)
      %dma_wait3A_401 = arith.constant 1 : i32
      %dma_wait3A_402 = arith.constant 8 : i32
      %dma_wait3A_403 = arith.constant 0 : i32
      %dma_wait3A_404 = tpu.memref_slice %arg7[%rem3A_386, %dma_wait3A_402, %dma_wait3A_403] : memref<3x32x1024xf32, #tpu.memory_space<vmem>> -> memref<1x8x1024xf32, #tpu.memory_space<vmem>>
      %dma_wait3A_405 = tpu.memref_squeeze %dma_wait3A_404 : memref<1x8x1024xf32, #tpu.memory_space<vmem>> -> memref<8x1024xf32, #tpu.memory_space<vmem>>
      %dma_wait3A_406 = tpu.memref_slice %arg6[%dma_wait3A_401, %mul3A_388] : memref<4x128xi32, #tpu.memory_space<vmem>> -> memref<1x8xi32, #tpu.memory_space<vmem>>
      %dma_wait3A_407 = tpu.memref_squeeze %dma_wait3A_406 : memref<1x8xi32, #tpu.memory_space<vmem>> -> memref<8xi32, #tpu.memory_space<vmem>>
      %dma_wait3A_408 = arith.constant 0 : i32
      %dma_wait3A_409 = arith.constant 0 : i32
      %dma_wait3A_410 = tpu.memref_slice %arg3[%dma_wait3A_408, %dma_wait3A_409] : memref<100000x1024xf32, #tpu.memory_space<hbm>> -> memref<100000x1024xf32, #tpu.memory_space<hbm>>
      %dma_wait3A_411 = tpu.memref_slice %arg8[%rem3A_386] : memref<3x!tpu.dma_semaphore, #tpu.memory_space<semaphore_mem>> -> memref<1x!tpu.dma_semaphore, #tpu.memory_space<semaphore_mem>>
      %dma_wait3A_412 = tpu.memref_squeeze %dma_wait3A_411 : memref<1x!tpu.dma_semaphore, #tpu.memory_space<semaphore_mem>> -> memref<!tpu.dma_semaphore, #tpu.memory_space<semaphore_mem>>
      tpu.wait_indirect_dma semaphore(%dma_wait3A_412 : memref<!tpu.dma_semaphore, #tpu.memory_space<semaphore_mem>>) src(%dma_wait3A_410 : memref<100000x1024xf32, #tpu.memory_space<hbm>>) dst(%dma_wait3A_405 : memref<8x1024xf32, #tpu.memory_space<vmem>>)
      %dma_wait3A_413 = arith.constant 2 : i32
      %dma_wait3A_414 = arith.constant 16 : i32
      %dma_wait3A_415 = arith.constant 0 : i32
      %dma_wait3A_416 = tpu.memref_slice %arg7[%rem3A_386, %dma_wait3A_414, %dma_wait3A_415] : memref<3x32x1024xf32, #tpu.memory_space<vmem>> -> memref<1x8x1024xf32, #tpu.memory_space<vmem>>
      %dma_wait3A_417 = tpu.memref_squeeze %dma_wait3A_416 : memref<1x8x1024xf32, #tpu.memory_space<vmem>> -> memref<8x1024xf32, #tpu.memory_space<vmem>>
      %dma_wait3A_418 = tpu.memref_slice %arg6[%dma_wait3A_413, %mul3A_388] : memref<4x128xi32, #tpu.memory_space<vmem>> -> memref<1x8xi32, #tpu.memory_space<vmem>>
      %dma_wait3A_419 = tpu.memref_squeeze %dma_wait3A_418 : memref<1x8xi32, #tpu.memory_space<vmem>> -> memref<8xi32, #tpu.memory_space<vmem>>
      %dma_wait3A_420 = arith.constant 0 : i32
      %dma_wait3A_421 = arith.constant 0 : i32
      %dma_wait3A_422 = tpu.memref_slice %arg3[%dma_wait3A_420, %dma_wait3A_421] : memref<100000x1024xf32, #tpu.memory_space<hbm>> -> memref<100000x1024xf32, #tpu.memory_space<hbm>>
      %dma_wait3A_423 = tpu.memref_slice %arg8[%rem3A_386] : memref<3x!tpu.dma_semaphore, #tpu.memory_space<semaphore_mem>> -> memref<1x!tpu.dma_semaphore, #tpu.memory_space<semaphore_mem>>
      %dma_wait3A_424 = tpu.memref_squeeze %dma_wait3A_423 : memref<1x!tpu.dma_semaphore, #tpu.memory_space<semaphore_mem>> -> memref<!tpu.dma_semaphore, #tpu.memory_space<semaphore_mem>>
      tpu.wait_indirect_dma semaphore(%dma_wait3A_424 : memref<!tpu.dma_semaphore, #tpu.memory_space<semaphore_mem>>) src(%dma_wait3A_422 : memref<100000x1024xf32, #tpu.memory_space<hbm>>) dst(%dma_wait3A_417 : memref<8x1024xf32, #tpu.memory_space<vmem>>)
      %dma_wait3A_425 = arith.constant 3 : i32
      %dma_wait3A_426 = arith.constant 24 : i32
      %dma_wait3A_427 = arith.constant 0 : i32
      %dma_wait3A_428 = tpu.memref_slice %arg7[%rem3A_386, %dma_wait3A_426, %dma_wait3A_427] : memref<3x32x1024xf32, #tpu.memory_space<vmem>> -> memref<1x8x1024xf32, #tpu.memory_space<vmem>>
      %dma_wait3A_429 = tpu.memref_squeeze %dma_wait3A_428 : memref<1x8x1024xf32, #tpu.memory_space<vmem>> -> memref<8x1024xf32, #tpu.memory_space<vmem>>
      %dma_wait3A_430 = tpu.memref_slice %arg6[%dma_wait3A_425, %mul3A_388] : memref<4x128xi32, #tpu.memory_space<vmem>> -> memref<1x8xi32, #tpu.memory_space<vmem>>
      %dma_wait3A_431 = tpu.memref_squeeze %dma_wait3A_430 : memref<1x8xi32, #tpu.memory_space<vmem>> -> memref<8xi32, #tpu.memory_space<vmem>>
      %dma_wait3A_432 = arith.constant 0 : i32
      %dma_wait3A_433 = arith.constant 0 : i32
      %dma_wait3A_434 = tpu.memref_slice %arg3[%dma_wait3A_432, %dma_wait3A_433] : memref<100000x1024xf32, #tpu.memory_space<hbm>> -> memref<100000x1024xf32, #tpu.memory_space<hbm>>
      %dma_wait3A_435 = tpu.memref_slice %arg8[%rem3A_386] : memref<3x!tpu.dma_semaphore, #tpu.memory_space<semaphore_mem>> -> memref<1x!tpu.dma_semaphore, #tpu.memory_space<semaphore_mem>>
      %dma_wait3A_436 = tpu.memref_squeeze %dma_wait3A_435 : memref<1x!tpu.dma_semaphore, #tpu.memory_space<semaphore_mem>> -> memref<!tpu.dma_semaphore, #tpu.memory_space<semaphore_mem>>
      tpu.wait_indirect_dma semaphore(%dma_wait3A_436 : memref<!tpu.dma_semaphore, #tpu.memory_space<semaphore_mem>>) src(%dma_wait3A_434 : memref<100000x1024xf32, #tpu.memory_space<hbm>>) dst(%dma_wait3A_429 : memref<8x1024xf32, #tpu.memory_space<vmem>>)
      %mul3A_437 = arith.constant 8 : i32
      %mul3A_438 = arith.muli %scan3A_385, %mul3A_437 : i32
      %add3A_439 = arith.addi %mul3A_2, %mul3A_438 : i32
      %add3A_440 = arith.addi %mul3A_2, %mul3A_438 : i32
      %add3A_441 = arith.addi %mul3A_2, %mul3A_438 : i32
      %add3A_442 = arith.addi %mul3A_2, %mul3A_438 : i32
      %dma_start3A_443 = arith.constant 0 : i32
      %dma_start3A_444 = arith.constant 0 : i32
      %dma_start3A_445 = arith.constant 0 : i32
      %dma_start3A_446 = tpu.memref_slice %arg7[%rem3A_386, %dma_start3A_444, %dma_start3A_445] : memref<3x32x1024xf32, #tpu.memory_space<vmem>> -> memref<1x8x1024xf32, #tpu.memory_space<vmem>>
      %dma_start3A_447 = tpu.memref_squeeze %dma_start3A_446 : memref<1x8x1024xf32, #tpu.memory_space<vmem>> -> memref<8x1024xf32, #tpu.memory_space<vmem>>
      %dma_start3A_448 = arith.constant 0 : i32
      %dma_start3A_449 = tpu.memref_slice %arg5[%dma_start3A_443, %add3A_439, %dma_start3A_448] : memref<4x4096x1024xf32, #tpu.memory_space<hbm>> -> memref<1x8x1024xf32, #tpu.memory_space<hbm>>
      %dma_start3A_450 = tpu.memref_squeeze %dma_start3A_449 : memref<1x8x1024xf32, #tpu.memory_space<hbm>> -> memref<8x1024xf32, #tpu.memory_space<hbm>>
      %dma_start3A_451 = tpu.memref_slice %arg9[%rem3A_386] : memref<3x!tpu.dma_semaphore, #tpu.memory_space<semaphore_mem>> -> memref<1x!tpu.dma_semaphore, #tpu.memory_space<semaphore_mem>>
      %dma_start3A_452 = tpu.memref_squeeze %dma_start3A_451 : memref<1x!tpu.dma_semaphore, #tpu.memory_space<semaphore_mem>> -> memref<!tpu.dma_semaphore, #tpu.memory_space<semaphore_mem>>
      %dma_start3A_453 = arith.constant 0 : i32
      %dma_start3A_454 = tpu.memref_slice %arg5[%dma_start3A_443, %add3A_439, %dma_start3A_453] : memref<4x4096x1024xf32, #tpu.memory_space<hbm>> -> memref<1x8x1024xf32, #tpu.memory_space<hbm>>
      %dma_start3A_455 = tpu.memref_squeeze %dma_start3A_454 : memref<1x8x1024xf32, #tpu.memory_space<hbm>> -> memref<8x1024xf32, #tpu.memory_space<hbm>>
      %dma_start3A_456 = arith.constant 0 : i32
      %dma_start3A_457 = arith.constant 0 : i32
      %dma_start3A_458 = tpu.memref_slice %arg7[%rem3A_386, %dma_start3A_456, %dma_start3A_457] : memref<3x32x1024xf32, #tpu.memory_space<vmem>> -> memref<1x8x1024xf32, #tpu.memory_space<vmem>>
      %dma_start3A_459 = tpu.memref_squeeze %dma_start3A_458 : memref<1x8x1024xf32, #tpu.memory_space<vmem>> -> memref<8x1024xf32, #tpu.memory_space<vmem>>
      tpu.enqueue_dma source(%dma_start3A_459 : memref<8x1024xf32, #tpu.memory_space<vmem>>) target(%dma_start3A_455 : memref<8x1024xf32, #tpu.memory_space<hbm>>) target_semaphore(%dma_start3A_452 : memref<!tpu.dma_semaphore, #tpu.memory_space<semaphore_mem>>)
      %dma_start3A_460 = arith.constant 1 : i32
      %dma_start3A_461 = arith.constant 8 : i32
      %dma_start3A_462 = arith.constant 0 : i32
      %dma_start3A_463 = tpu.memref_slice %arg7[%rem3A_386, %dma_start3A_461, %dma_start3A_462] : memref<3x32x1024xf32, #tpu.memory_space<vmem>> -> memref<1x8x1024xf32, #tpu.memory_space<vmem>>
      %dma_start3A_464 = tpu.memref_squeeze %dma_start3A_463 : memref<1x8x1024xf32, #tpu.memory_space<vmem>> -> memref<8x1024xf32, #tpu.memory_space<vmem>>
      %dma_start3A_465 = arith.constant 0 : i32
      %dma_start3A_466 = tpu.memref_slice %arg5[%dma_start3A_460, %add3A_440, %dma_start3A_465] : memref<4x4096x1024xf32, #tpu.memory_space<hbm>> -> memref<1x8x1024xf32, #tpu.memory_space<hbm>>
      %dma_start3A_467 = tpu.memref_squeeze %dma_start3A_466 : memref<1x8x1024xf32, #tpu.memory_space<hbm>> -> memref<8x1024xf32, #tpu.memory_space<hbm>>
      %dma_start3A_468 = tpu.memref_slice %arg9[%rem3A_386] : memref<3x!tpu.dma_semaphore, #tpu.memory_space<semaphore_mem>> -> memref<1x!tpu.dma_semaphore, #tpu.memory_space<semaphore_mem>>
      %dma_start3A_469 = tpu.memref_squeeze %dma_start3A_468 : memref<1x!tpu.dma_semaphore, #tpu.memory_space<semaphore_mem>> -> memref<!tpu.dma_semaphore, #tpu.memory_space<semaphore_mem>>
      %dma_start3A_470 = arith.constant 0 : i32
      %dma_start3A_471 = tpu.memref_slice %arg5[%dma_start3A_460, %add3A_440, %dma_start3A_470] : memref<4x4096x1024xf32, #tpu.memory_space<hbm>> -> memref<1x8x1024xf32, #tpu.memory_space<hbm>>
      %dma_start3A_472 = tpu.memref_squeeze %dma_start3A_471 : memref<1x8x1024xf32, #tpu.memory_space<hbm>> -> memref<8x1024xf32, #tpu.memory_space<hbm>>
      %dma_start3A_473 = arith.constant 8 : i32
      %dma_start3A_474 = arith.constant 0 : i32
      %dma_start3A_475 = tpu.memref_slice %arg7[%rem3A_386, %dma_start3A_473, %dma_start3A_474] : memref<3x32x1024xf32, #tpu.memory_space<vmem>> -> memref<1x8x1024xf32, #tpu.memory_space<vmem>>
      %dma_start3A_476 = tpu.memref_squeeze %dma_start3A_475 : memref<1x8x1024xf32, #tpu.memory_space<vmem>> -> memref<8x1024xf32, #tpu.memory_space<vmem>>
      tpu.enqueue_dma source(%dma_start3A_476 : memref<8x1024xf32, #tpu.memory_space<vmem>>) target(%dma_start3A_472 : memref<8x1024xf32, #tpu.memory_space<hbm>>) target_semaphore(%dma_start3A_469 : memref<!tpu.dma_semaphore, #tpu.memory_space<semaphore_mem>>)
      %dma_start3A_477 = arith.constant 2 : i32
      %dma_start3A_478 = arith.constant 16 : i32
      %dma_start3A_479 = arith.constant 0 : i32
      %dma_start3A_480 = tpu.memref_slice %arg7[%rem3A_386, %dma_start3A_478, %dma_start3A_479] : memref<3x32x1024xf32, #tpu.memory_space<vmem>> -> memref<1x8x1024xf32, #tpu.memory_space<vmem>>
      %dma_start3A_481 = tpu.memref_squeeze %dma_start3A_480 : memref<1x8x1024xf32, #tpu.memory_space<vmem>> -> memref<8x1024xf32, #tpu.memory_space<vmem>>
      %dma_start3A_482 = arith.constant 0 : i32
      %dma_start3A_483 = tpu.memref_slice %arg5[%dma_start3A_477, %add3A_441, %dma_start3A_482] : memref<4x4096x1024xf32, #tpu.memory_space<hbm>> -> memref<1x8x1024xf32, #tpu.memory_space<hbm>>
      %dma_start3A_484 = tpu.memref_squeeze %dma_start3A_483 : memref<1x8x1024xf32, #tpu.memory_space<hbm>> -> memref<8x1024xf32, #tpu.memory_space<hbm>>
      %dma_start3A_485 = tpu.memref_slice %arg9[%rem3A_386] : memref<3x!tpu.dma_semaphore, #tpu.memory_space<semaphore_mem>> -> memref<1x!tpu.dma_semaphore, #tpu.memory_space<semaphore_mem>>
      %dma_start3A_486 = tpu.memref_squeeze %dma_start3A_485 : memref<1x!tpu.dma_semaphore, #tpu.memory_space<semaphore_mem>> -> memref<!tpu.dma_semaphore, #tpu.memory_space<semaphore_mem>>
      %dma_start3A_487 = arith.constant 0 : i32
      %dma_start3A_488 = tpu.memref_slice %arg5[%dma_start3A_477, %add3A_441, %dma_start3A_487] : memref<4x4096x1024xf32, #tpu.memory_space<hbm>> -> memref<1x8x1024xf32, #tpu.memory_space<hbm>>
      %dma_start3A_489 = tpu.memref_squeeze %dma_start3A_488 : memref<1x8x1024xf32, #tpu.memory_space<hbm>> -> memref<8x1024xf32, #tpu.memory_space<hbm>>
      %dma_start3A_490 = arith.constant 16 : i32
      %dma_start3A_491 = arith.constant 0 : i32
      %dma_start3A_492 = tpu.memref_slice %arg7[%rem3A_386, %dma_start3A_490, %dma_start3A_491] : memref<3x32x1024xf32, #tpu.memory_space<vmem>> -> memref<1x8x1024xf32, #tpu.memory_space<vmem>>
      %dma_start3A_493 = tpu.memref_squeeze %dma_start3A_492 : memref<1x8x1024xf32, #tpu.memory_space<vmem>> -> memref<8x1024xf32, #tpu.memory_space<vmem>>
      tpu.enqueue_dma source(%dma_start3A_493 : memref<8x1024xf32, #tpu.memory_space<vmem>>) target(%dma_start3A_489 : memref<8x1024xf32, #tpu.memory_space<hbm>>) target_semaphore(%dma_start3A_486 : memref<!tpu.dma_semaphore, #tpu.memory_space<semaphore_mem>>)
      %dma_start3A_494 = arith.constant 3 : i32
      %dma_start3A_495 = arith.constant 24 : i32
      %dma_start3A_496 = arith.constant 0 : i32
      %dma_start3A_497 = tpu.memref_slice %arg7[%rem3A_386, %dma_start3A_495, %dma_start3A_496] : memref<3x32x1024xf32, #tpu.memory_space<vmem>> -> memref<1x8x1024xf32, #tpu.memory_space<vmem>>
      %dma_start3A_498 = tpu.memref_squeeze %dma_start3A_497 : memref<1x8x1024xf32, #tpu.memory_space<vmem>> -> memref<8x1024xf32, #tpu.memory_space<vmem>>
      %dma_start3A_499 = arith.constant 0 : i32
      %dma_start3A_500 = tpu.memref_slice %arg5[%dma_start3A_494, %add3A_442, %dma_start3A_499] : memref<4x4096x1024xf32, #tpu.memory_space<hbm>> -> memref<1x8x1024xf32, #tpu.memory_space<hbm>>
      %dma_start3A_501 = tpu.memref_squeeze %dma_start3A_500 : memref<1x8x1024xf32, #tpu.memory_space<hbm>> -> memref<8x1024xf32, #tpu.memory_space<hbm>>
      %dma_start3A_502 = tpu.memref_slice %arg9[%rem3A_386] : memref<3x!tpu.dma_semaphore, #tpu.memory_space<semaphore_mem>> -> memref<1x!tpu.dma_semaphore, #tpu.memory_space<semaphore_mem>>
      %dma_start3A_503 = tpu.memref_squeeze %dma_start3A_502 : memref<1x!tpu.dma_semaphore, #tpu.memory_space<semaphore_mem>> -> memref<!tpu.dma_semaphore, #tpu.memory_space<semaphore_mem>>
      %dma_start3A_504 = arith.constant 0 : i32
      %dma_start3A_505 = tpu.memref_slice %arg5[%dma_start3A_494, %add3A_442, %dma_start3A_504] : memref<4x4096x1024xf32, #tpu.memory_space<hbm>> -> memref<1x8x1024xf32, #tpu.memory_space<hbm>>
      %dma_start3A_506 = tpu.memref_squeeze %dma_start3A_505 : memref<1x8x1024xf32, #tpu.memory_space<hbm>> -> memref<8x1024xf32, #tpu.memory_space<hbm>>
      %dma_start3A_507 = arith.constant 24 : i32
      %dma_start3A_508 = arith.constant 0 : i32
      %dma_start3A_509 = tpu.memref_slice %arg7[%rem3A_386, %dma_start3A_507, %dma_start3A_508] : memref<3x32x1024xf32, #tpu.memory_space<vmem>> -> memref<1x8x1024xf32, #tpu.memory_space<vmem>>
      %dma_start3A_510 = tpu.memref_squeeze %dma_start3A_509 : memref<1x8x1024xf32, #tpu.memory_space<vmem>> -> memref<8x1024xf32, #tpu.memory_space<vmem>>
      tpu.enqueue_dma source(%dma_start3A_510 : memref<8x1024xf32, #tpu.memory_space<vmem>>) target(%dma_start3A_506 : memref<8x1024xf32, #tpu.memory_space<hbm>>) target_semaphore(%dma_start3A_503 : memref<!tpu.dma_semaphore, #tpu.memory_space<semaphore_mem>>)
      %add3A_511 = arith.constant 2 : i32
      %add3A_512 = arith.addi %scan3A_385, %add3A_511 : i32
      %lt3A = arith.constant 16 : i32
      %lt3A_513 = arith.cmpi slt, %add3A_512, %lt3A : i32
      %convert_element_type3A = arith.extui %lt3A_513 : i1 to i32
      %cond3A = arith.constant 0 : i32
      %cond3A_514 = arith.cmpi ne, %convert_element_type3A, %cond3A : i32
      scf.if %cond3A_514 {
        %add3A_515 = arith.constant 2 : i32
        %add3A_516 = arith.addi %scan3A_385, %add3A_515 : i32
        %rem3A_517 = arith.constant 3 : i32
        %rem3A_518 = arith.remsi %add3A_516, %rem3A_517 : i32
        %ge3A = arith.constant 1 : i32
        %ge3A_519 = arith.cmpi sge, %scan3A_385, %ge3A : i32
        %convert_element_type3A_520 = arith.extui %ge3A_519 : i1 to i32
        %cond3A_521 = arith.constant 0 : i32
        %cond3A_522 = arith.cmpi ne, %convert_element_type3A_520, %cond3A_521 : i32
        scf.if %cond3A_522 {
          %sub3A = arith.constant 1 : i32
          %sub3A_575 = arith.subi %scan3A_385, %sub3A : i32
          %mul3A_576 = arith.constant 8 : i32
          %mul3A_577 = arith.muli %sub3A_575, %mul3A_576 : i32
          %add3A_578 = arith.addi %mul3A_2, %mul3A_577 : i32
          %add3A_579 = arith.addi %mul3A_2, %mul3A_577 : i32
          %add3A_580 = arith.addi %mul3A_2, %mul3A_577 : i32
          %add3A_581 = arith.addi %mul3A_2, %mul3A_577 : i32
          %dma_wait3A_582 = arith.constant 0 : i32
          %dma_wait3A_583 = arith.constant 0 : i32
          %dma_wait3A_584 = arith.constant 0 : i32
          %dma_wait3A_585 = tpu.memref_slice %arg7[%rem3A_518, %dma_wait3A_583, %dma_wait3A_584] : memref<3x32x1024xf32, #tpu.memory_space<vmem>> -> memref<1x8x1024xf32, #tpu.memory_space<vmem>>
          %dma_wait3A_586 = tpu.memref_squeeze %dma_wait3A_585 : memref<1x8x1024xf32, #tpu.memory_space<vmem>> -> memref<8x1024xf32, #tpu.memory_space<vmem>>
          %dma_wait3A_587 = arith.constant 0 : i32
          %dma_wait3A_588 = tpu.memref_slice %arg5[%dma_wait3A_582, %add3A_578, %dma_wait3A_587] : memref<4x4096x1024xf32, #tpu.memory_space<hbm>> -> memref<1x8x1024xf32, #tpu.memory_space<hbm>>
          %dma_wait3A_589 = tpu.memref_squeeze %dma_wait3A_588 : memref<1x8x1024xf32, #tpu.memory_space<hbm>> -> memref<8x1024xf32, #tpu.memory_space<hbm>>
          %dma_wait3A_590 = tpu.memref_slice %arg9[%rem3A_518] : memref<3x!tpu.dma_semaphore, #tpu.memory_space<semaphore_mem>> -> memref<1x!tpu.dma_semaphore, #tpu.memory_space<semaphore_mem>>
          %dma_wait3A_591 = tpu.memref_squeeze %dma_wait3A_590 : memref<1x!tpu.dma_semaphore, #tpu.memory_space<semaphore_mem>> -> memref<!tpu.dma_semaphore, #tpu.memory_space<semaphore_mem>>
          %dma_wait3A_592 = arith.constant 0 : i32
          %dma_wait3A_593 = tpu.memref_slice %arg5[%dma_wait3A_582, %add3A_578, %dma_wait3A_592] : memref<4x4096x1024xf32, #tpu.memory_space<hbm>> -> memref<1x8x1024xf32, #tpu.memory_space<hbm>>
          %dma_wait3A_594 = tpu.memref_squeeze %dma_wait3A_593 : memref<1x8x1024xf32, #tpu.memory_space<hbm>> -> memref<8x1024xf32, #tpu.memory_space<hbm>>
          %dma_wait3A_595 = arith.constant 0 : i32
          %dma_wait3A_596 = arith.constant 0 : i32
          %dma_wait3A_597 = tpu.memref_slice %arg7[%rem3A_518, %dma_wait3A_595, %dma_wait3A_596] : memref<3x32x1024xf32, #tpu.memory_space<vmem>> -> memref<1x8x1024xf32, #tpu.memory_space<vmem>>
          %dma_wait3A_598 = tpu.memref_squeeze %dma_wait3A_597 : memref<1x8x1024xf32, #tpu.memory_space<vmem>> -> memref<8x1024xf32, #tpu.memory_space<vmem>>
          tpu.wait_dma2 semaphore(%dma_wait3A_591 : memref<!tpu.dma_semaphore, #tpu.memory_space<semaphore_mem>>) src(%dma_wait3A_598 : memref<8x1024xf32, #tpu.memory_space<vmem>>) dst(%dma_wait3A_594 : memref<8x1024xf32, #tpu.memory_space<hbm>>)
          %dma_wait3A_599 = arith.constant 1 : i32
          %dma_wait3A_600 = arith.constant 8 : i32
          %dma_wait3A_601 = arith.constant 0 : i32
          %dma_wait3A_602 = tpu.memref_slice %arg7[%rem3A_518, %dma_wait3A_600, %dma_wait3A_601] : memref<3x32x1024xf32, #tpu.memory_space<vmem>> -> memref<1x8x1024xf32, #tpu.memory_space<vmem>>
          %dma_wait3A_603 = tpu.memref_squeeze %dma_wait3A_602 : memref<1x8x1024xf32, #tpu.memory_space<vmem>> -> memref<8x1024xf32, #tpu.memory_space<vmem>>
          %dma_wait3A_604 = arith.constant 0 : i32
          %dma_wait3A_605 = tpu.memref_slice %arg5[%dma_wait3A_599, %add3A_579, %dma_wait3A_604] : memref<4x4096x1024xf32, #tpu.memory_space<hbm>> -> memref<1x8x1024xf32, #tpu.memory_space<hbm>>
          %dma_wait3A_606 = tpu.memref_squeeze %dma_wait3A_605 : memref<1x8x1024xf32, #tpu.memory_space<hbm>> -> memref<8x1024xf32, #tpu.memory_space<hbm>>
          %dma_wait3A_607 = tpu.memref_slice %arg9[%rem3A_518] : memref<3x!tpu.dma_semaphore, #tpu.memory_space<semaphore_mem>> -> memref<1x!tpu.dma_semaphore, #tpu.memory_space<semaphore_mem>>
          %dma_wait3A_608 = tpu.memref_squeeze %dma_wait3A_607 : memref<1x!tpu.dma_semaphore, #tpu.memory_space<semaphore_mem>> -> memref<!tpu.dma_semaphore, #tpu.memory_space<semaphore_mem>>
          %dma_wait3A_609 = arith.constant 0 : i32
          %dma_wait3A_610 = tpu.memref_slice %arg5[%dma_wait3A_599, %add3A_579, %dma_wait3A_609] : memref<4x4096x1024xf32, #tpu.memory_space<hbm>> -> memref<1x8x1024xf32, #tpu.memory_space<hbm>>
          %dma_wait3A_611 = tpu.memref_squeeze %dma_wait3A_610 : memref<1x8x1024xf32, #tpu.memory_space<hbm>> -> memref<8x1024xf32, #tpu.memory_space<hbm>>
          %dma_wait3A_612 = arith.constant 8 : i32
          %dma_wait3A_613 = arith.constant 0 : i32
          %dma_wait3A_614 = tpu.memref_slice %arg7[%rem3A_518, %dma_wait3A_612, %dma_wait3A_613] : memref<3x32x1024xf32, #tpu.memory_space<vmem>> -> memref<1x8x1024xf32, #tpu.memory_space<vmem>>
          %dma_wait3A_615 = tpu.memref_squeeze %dma_wait3A_614 : memref<1x8x1024xf32, #tpu.memory_space<vmem>> -> memref<8x1024xf32, #tpu.memory_space<vmem>>
          tpu.wait_dma2 semaphore(%dma_wait3A_608 : memref<!tpu.dma_semaphore, #tpu.memory_space<semaphore_mem>>) src(%dma_wait3A_615 : memref<8x1024xf32, #tpu.memory_space<vmem>>) dst(%dma_wait3A_611 : memref<8x1024xf32, #tpu.memory_space<hbm>>)
          %dma_wait3A_616 = arith.constant 2 : i32
          %dma_wait3A_617 = arith.constant 16 : i32
          %dma_wait3A_618 = arith.constant 0 : i32
          %dma_wait3A_619 = tpu.memref_slice %arg7[%rem3A_518, %dma_wait3A_617, %dma_wait3A_618] : memref<3x32x1024xf32, #tpu.memory_space<vmem>> -> memref<1x8x1024xf32, #tpu.memory_space<vmem>>
          %dma_wait3A_620 = tpu.memref_squeeze %dma_wait3A_619 : memref<1x8x1024xf32, #tpu.memory_space<vmem>> -> memref<8x1024xf32, #tpu.memory_space<vmem>>
          %dma_wait3A_621 = arith.constant 0 : i32
          %dma_wait3A_622 = tpu.memref_slice %arg5[%dma_wait3A_616, %add3A_580, %dma_wait3A_621] : memref<4x4096x1024xf32, #tpu.memory_space<hbm>> -> memref<1x8x1024xf32, #tpu.memory_space<hbm>>
          %dma_wait3A_623 = tpu.memref_squeeze %dma_wait3A_622 : memref<1x8x1024xf32, #tpu.memory_space<hbm>> -> memref<8x1024xf32, #tpu.memory_space<hbm>>
          %dma_wait3A_624 = tpu.memref_slice %arg9[%rem3A_518] : memref<3x!tpu.dma_semaphore, #tpu.memory_space<semaphore_mem>> -> memref<1x!tpu.dma_semaphore, #tpu.memory_space<semaphore_mem>>
          %dma_wait3A_625 = tpu.memref_squeeze %dma_wait3A_624 : memref<1x!tpu.dma_semaphore, #tpu.memory_space<semaphore_mem>> -> memref<!tpu.dma_semaphore, #tpu.memory_space<semaphore_mem>>
          %dma_wait3A_626 = arith.constant 0 : i32
          %dma_wait3A_627 = tpu.memref_slice %arg5[%dma_wait3A_616, %add3A_580, %dma_wait3A_626] : memref<4x4096x1024xf32, #tpu.memory_space<hbm>> -> memref<1x8x1024xf32, #tpu.memory_space<hbm>>
          %dma_wait3A_628 = tpu.memref_squeeze %dma_wait3A_627 : memref<1x8x1024xf32, #tpu.memory_space<hbm>> -> memref<8x1024xf32, #tpu.memory_space<hbm>>
          %dma_wait3A_629 = arith.constant 16 : i32
          %dma_wait3A_630 = arith.constant 0 : i32
          %dma_wait3A_631 = tpu.memref_slice %arg7[%rem3A_518, %dma_wait3A_629, %dma_wait3A_630] : memref<3x32x1024xf32, #tpu.memory_space<vmem>> -> memref<1x8x1024xf32, #tpu.memory_space<vmem>>
          %dma_wait3A_632 = tpu.memref_squeeze %dma_wait3A_631 : memref<1x8x1024xf32, #tpu.memory_space<vmem>> -> memref<8x1024xf32, #tpu.memory_space<vmem>>
          tpu.wait_dma2 semaphore(%dma_wait3A_625 : memref<!tpu.dma_semaphore, #tpu.memory_space<semaphore_mem>>) src(%dma_wait3A_632 : memref<8x1024xf32, #tpu.memory_space<vmem>>) dst(%dma_wait3A_628 : memref<8x1024xf32, #tpu.memory_space<hbm>>)
          %dma_wait3A_633 = arith.constant 3 : i32
          %dma_wait3A_634 = arith.constant 24 : i32
          %dma_wait3A_635 = arith.constant 0 : i32
          %dma_wait3A_636 = tpu.memref_slice %arg7[%rem3A_518, %dma_wait3A_634, %dma_wait3A_635] : memref<3x32x1024xf32, #tpu.memory_space<vmem>> -> memref<1x8x1024xf32, #tpu.memory_space<vmem>>
          %dma_wait3A_637 = tpu.memref_squeeze %dma_wait3A_636 : memref<1x8x1024xf32, #tpu.memory_space<vmem>> -> memref<8x1024xf32, #tpu.memory_space<vmem>>
          %dma_wait3A_638 = arith.constant 0 : i32
          %dma_wait3A_639 = tpu.memref_slice %arg5[%dma_wait3A_633, %add3A_581, %dma_wait3A_638] : memref<4x4096x1024xf32, #tpu.memory_space<hbm>> -> memref<1x8x1024xf32, #tpu.memory_space<hbm>>
          %dma_wait3A_640 = tpu.memref_squeeze %dma_wait3A_639 : memref<1x8x1024xf32, #tpu.memory_space<hbm>> -> memref<8x1024xf32, #tpu.memory_space<hbm>>
          %dma_wait3A_641 = tpu.memref_slice %arg9[%rem3A_518] : memref<3x!tpu.dma_semaphore, #tpu.memory_space<semaphore_mem>> -> memref<1x!tpu.dma_semaphore, #tpu.memory_space<semaphore_mem>>
          %dma_wait3A_642 = tpu.memref_squeeze %dma_wait3A_641 : memref<1x!tpu.dma_semaphore, #tpu.memory_space<semaphore_mem>> -> memref<!tpu.dma_semaphore, #tpu.memory_space<semaphore_mem>>
          %dma_wait3A_643 = arith.constant 0 : i32
          %dma_wait3A_644 = tpu.memref_slice %arg5[%dma_wait3A_633, %add3A_581, %dma_wait3A_643] : memref<4x4096x1024xf32, #tpu.memory_space<hbm>> -> memref<1x8x1024xf32, #tpu.memory_space<hbm>>
          %dma_wait3A_645 = tpu.memref_squeeze %dma_wait3A_644 : memref<1x8x1024xf32, #tpu.memory_space<hbm>> -> memref<8x1024xf32, #tpu.memory_space<hbm>>
          %dma_wait3A_646 = arith.constant 24 : i32
          %dma_wait3A_647 = arith.constant 0 : i32
          %dma_wait3A_648 = tpu.memref_slice %arg7[%rem3A_518, %dma_wait3A_646, %dma_wait3A_647] : memref<3x32x1024xf32, #tpu.memory_space<vmem>> -> memref<1x8x1024xf32, #tpu.memory_space<vmem>>
          %dma_wait3A_649 = tpu.memref_squeeze %dma_wait3A_648 : memref<1x8x1024xf32, #tpu.memory_space<vmem>> -> memref<8x1024xf32, #tpu.memory_space<vmem>>
          tpu.wait_dma2 semaphore(%dma_wait3A_642 : memref<!tpu.dma_semaphore, #tpu.memory_space<semaphore_mem>>) src(%dma_wait3A_649 : memref<8x1024xf32, #tpu.memory_space<vmem>>) dst(%dma_wait3A_645 : memref<8x1024xf32, #tpu.memory_space<hbm>>)
        } else {
        }
        %add3A_523 = arith.constant 2 : i32
        %add3A_524 = arith.addi %scan3A_385, %add3A_523 : i32
        %mul3A_525 = arith.constant 8 : i32
        %mul3A_526 = arith.muli %add3A_524, %mul3A_525 : i32
        %dma_start3A_527 = arith.constant 0 : i32
        %dma_start3A_528 = arith.constant 0 : i32
        %dma_start3A_529 = arith.constant 0 : i32
        %dma_start3A_530 = tpu.memref_slice %arg7[%rem3A_518, %dma_start3A_528, %dma_start3A_529] : memref<3x32x1024xf32, #tpu.memory_space<vmem>> -> memref<1x8x1024xf32, #tpu.memory_space<vmem>>
        %dma_start3A_531 = tpu.memref_squeeze %dma_start3A_530 : memref<1x8x1024xf32, #tpu.memory_space<vmem>> -> memref<8x1024xf32, #tpu.memory_space<vmem>>
        %dma_start3A_532 = tpu.memref_slice %arg6[%dma_start3A_527, %mul3A_526] : memref<4x128xi32, #tpu.memory_space<vmem>> -> memref<1x8xi32, #tpu.memory_space<vmem>>
        %dma_start3A_533 = tpu.memref_squeeze %dma_start3A_532 : memref<1x8xi32, #tpu.memory_space<vmem>> -> memref<8xi32, #tpu.memory_space<vmem>>
        %dma_start3A_534 = arith.constant 0 : i32
        %dma_start3A_535 = arith.constant 0 : i32
        %dma_start3A_536 = tpu.memref_slice %arg3[%dma_start3A_534, %dma_start3A_535] : memref<100000x1024xf32, #tpu.memory_space<hbm>> -> memref<100000x1024xf32, #tpu.memory_space<hbm>>
        %dma_start3A_537 = tpu.memref_slice %arg8[%rem3A_518] : memref<3x!tpu.dma_semaphore, #tpu.memory_space<semaphore_mem>> -> memref<1x!tpu.dma_semaphore, #tpu.memory_space<semaphore_mem>>
        %dma_start3A_538 = tpu.memref_squeeze %dma_start3A_537 : memref<1x!tpu.dma_semaphore, #tpu.memory_space<semaphore_mem>> -> memref<!tpu.dma_semaphore, #tpu.memory_space<semaphore_mem>>
        tpu.enqueue_indirect_dma source(%dma_start3A_536 : memref<100000x1024xf32, #tpu.memory_space<hbm>>) target(%dma_start3A_531 : memref<8x1024xf32, #tpu.memory_space<vmem>>) offsets(%dma_start3A_533 : memref<8xi32, #tpu.memory_space<vmem>>) semaphore(%dma_start3A_538 : memref<!tpu.dma_semaphore, #tpu.memory_space<semaphore_mem>>)
        %dma_start3A_539 = arith.constant 1 : i32
        %dma_start3A_540 = arith.constant 8 : i32
        %dma_start3A_541 = arith.constant 0 : i32
        %dma_start3A_542 = tpu.memref_slice %arg7[%rem3A_518, %dma_start3A_540, %dma_start3A_541] : memref<3x32x1024xf32, #tpu.memory_space<vmem>> -> memref<1x8x1024xf32, #tpu.memory_space<vmem>>
        %dma_start3A_543 = tpu.memref_squeeze %dma_start3A_542 : memref<1x8x1024xf32, #tpu.memory_space<vmem>> -> memref<8x1024xf32, #tpu.memory_space<vmem>>
        %dma_start3A_544 = tpu.memref_slice %arg6[%dma_start3A_539, %mul3A_526] : memref<4x128xi32, #tpu.memory_space<vmem>> -> memref<1x8xi32, #tpu.memory_space<vmem>>
        %dma_start3A_545 = tpu.memref_squeeze %dma_start3A_544 : memref<1x8xi32, #tpu.memory_space<vmem>> -> memref<8xi32, #tpu.memory_space<vmem>>
        %dma_start3A_546 = arith.constant 0 : i32
        %dma_start3A_547 = arith.constant 0 : i32
        %dma_start3A_548 = tpu.memref_slice %arg3[%dma_start3A_546, %dma_start3A_547] : memref<100000x1024xf32, #tpu.memory_space<hbm>> -> memref<100000x1024xf32, #tpu.memory_space<hbm>>
        %dma_start3A_549 = tpu.memref_slice %arg8[%rem3A_518] : memref<3x!tpu.dma_semaphore, #tpu.memory_space<semaphore_mem>> -> memref<1x!tpu.dma_semaphore, #tpu.memory_space<semaphore_mem>>
        %dma_start3A_550 = tpu.memref_squeeze %dma_start3A_549 : memref<1x!tpu.dma_semaphore, #tpu.memory_space<semaphore_mem>> -> memref<!tpu.dma_semaphore, #tpu.memory_space<semaphore_mem>>
        tpu.enqueue_indirect_dma source(%dma_start3A_548 : memref<100000x1024xf32, #tpu.memory_space<hbm>>) target(%dma_start3A_543 : memref<8x1024xf32, #tpu.memory_space<vmem>>) offsets(%dma_start3A_545 : memref<8xi32, #tpu.memory_space<vmem>>) semaphore(%dma_start3A_550 : memref<!tpu.dma_semaphore, #tpu.memory_space<semaphore_mem>>)
        %dma_start3A_551 = arith.constant 2 : i32
        %dma_start3A_552 = arith.constant 16 : i32
        %dma_start3A_553 = arith.constant 0 : i32
        %dma_start3A_554 = tpu.memref_slice %arg7[%rem3A_518, %dma_start3A_552, %dma_start3A_553] : memref<3x32x1024xf32, #tpu.memory_space<vmem>> -> memref<1x8x1024xf32, #tpu.memory_space<vmem>>
        %dma_start3A_555 = tpu.memref_squeeze %dma_start3A_554 : memref<1x8x1024xf32, #tpu.memory_space<vmem>> -> memref<8x1024xf32, #tpu.memory_space<vmem>>
        %dma_start3A_556 = tpu.memref_slice %arg6[%dma_start3A_551, %mul3A_526] : memref<4x128xi32, #tpu.memory_space<vmem>> -> memref<1x8xi32, #tpu.memory_space<vmem>>
        %dma_start3A_557 = tpu.memref_squeeze %dma_start3A_556 : memref<1x8xi32, #tpu.memory_space<vmem>> -> memref<8xi32, #tpu.memory_space<vmem>>
        %dma_start3A_558 = arith.constant 0 : i32
        %dma_start3A_559 = arith.constant 0 : i32
        %dma_start3A_560 = tpu.memref_slice %arg3[%dma_start3A_558, %dma_start3A_559] : memref<100000x1024xf32, #tpu.memory_space<hbm>> -> memref<100000x1024xf32, #tpu.memory_space<hbm>>
        %dma_start3A_561 = tpu.memref_slice %arg8[%rem3A_518] : memref<3x!tpu.dma_semaphore, #tpu.memory_space<semaphore_mem>> -> memref<1x!tpu.dma_semaphore, #tpu.memory_space<semaphore_mem>>
        %dma_start3A_562 = tpu.memref_squeeze %dma_start3A_561 : memref<1x!tpu.dma_semaphore, #tpu.memory_space<semaphore_mem>> -> memref<!tpu.dma_semaphore, #tpu.memory_space<semaphore_mem>>
        tpu.enqueue_indirect_dma source(%dma_start3A_560 : memref<100000x1024xf32, #tpu.memory_space<hbm>>) target(%dma_start3A_555 : memref<8x1024xf32, #tpu.memory_space<vmem>>) offsets(%dma_start3A_557 : memref<8xi32, #tpu.memory_space<vmem>>) semaphore(%dma_start3A_562 : memref<!tpu.dma_semaphore, #tpu.memory_space<semaphore_mem>>)
        %dma_start3A_563 = arith.constant 3 : i32
        %dma_start3A_564 = arith.constant 24 : i32
        %dma_start3A_565 = arith.constant 0 : i32
        %dma_start3A_566 = tpu.memref_slice %arg7[%rem3A_518, %dma_start3A_564, %dma_start3A_565] : memref<3x32x1024xf32, #tpu.memory_space<vmem>> -> memref<1x8x1024xf32, #tpu.memory_space<vmem>>
        %dma_start3A_567 = tpu.memref_squeeze %dma_start3A_566 : memref<1x8x1024xf32, #tpu.memory_space<vmem>> -> memref<8x1024xf32, #tpu.memory_space<vmem>>
        %dma_start3A_568 = tpu.memref_slice %arg6[%dma_start3A_563, %mul3A_526] : memref<4x128xi32, #tpu.memory_space<vmem>> -> memref<1x8xi32, #tpu.memory_space<vmem>>
        %dma_start3A_569 = tpu.memref_squeeze %dma_start3A_568 : memref<1x8xi32, #tpu.memory_space<vmem>> -> memref<8xi32, #tpu.memory_space<vmem>>
        %dma_start3A_570 = arith.constant 0 : i32
        %dma_start3A_571 = arith.constant 0 : i32
        %dma_start3A_572 = tpu.memref_slice %arg3[%dma_start3A_570, %dma_start3A_571] : memref<100000x1024xf32, #tpu.memory_space<hbm>> -> memref<100000x1024xf32, #tpu.memory_space<hbm>>
        %dma_start3A_573 = tpu.memref_slice %arg8[%rem3A_518] : memref<3x!tpu.dma_semaphore, #tpu.memory_space<semaphore_mem>> -> memref<1x!tpu.dma_semaphore, #tpu.memory_space<semaphore_mem>>
        %dma_start3A_574 = tpu.memref_squeeze %dma_start3A_573 : memref<1x!tpu.dma_semaphore, #tpu.memory_space<semaphore_mem>> -> memref<!tpu.dma_semaphore, #tpu.memory_space<semaphore_mem>>
        tpu.enqueue_indirect_dma source(%dma_start3A_572 : memref<100000x1024xf32, #tpu.memory_space<hbm>>) target(%dma_start3A_567 : memref<8x1024xf32, #tpu.memory_space<vmem>>) offsets(%dma_start3A_569 : memref<8xi32, #tpu.memory_space<vmem>>) semaphore(%dma_start3A_574 : memref<!tpu.dma_semaphore, #tpu.memory_space<semaphore_mem>>)
      } else {
      }
    }
    %scan3A_133 = arith.constant 16 : i32
    %add3A_134 = arith.constant 104 : i32
    %add3A_135 = arith.addi %mul3A_2, %add3A_134 : i32
    %add3A_136 = arith.constant 104 : i32
    %add3A_137 = arith.addi %mul3A_2, %add3A_136 : i32
    %add3A_138 = arith.constant 104 : i32
    %add3A_139 = arith.addi %mul3A_2, %add3A_138 : i32
    %add3A_140 = arith.constant 104 : i32
    %add3A_141 = arith.addi %mul3A_2, %add3A_140 : i32
    %dma_wait3A = arith.constant 1 : i32
    %dma_wait3A_142 = arith.constant 0 : i32
    %dma_wait3A_143 = arith.constant 1 : i32
    %dma_wait3A_144 = arith.constant 0 : i32
    %dma_wait3A_145 = arith.constant 0 : i32
    %dma_wait3A_146 = tpu.memref_slice %arg7[%dma_wait3A, %dma_wait3A_144, %dma_wait3A_145] : memref<3x32x1024xf32, #tpu.memory_space<vmem>> -> memref<1x8x1024xf32, #tpu.memory_space<vmem>>
    %dma_wait3A_147 = tpu.memref_squeeze %dma_wait3A_146 : memref<1x8x1024xf32, #tpu.memory_space<vmem>> -> memref<8x1024xf32, #tpu.memory_space<vmem>>
    %dma_wait3A_148 = arith.constant 0 : i32
    %dma_wait3A_149 = tpu.memref_slice %arg5[%dma_wait3A_142, %add3A_135, %dma_wait3A_148] : memref<4x4096x1024xf32, #tpu.memory_space<hbm>> -> memref<1x8x1024xf32, #tpu.memory_space<hbm>>
    %dma_wait3A_150 = tpu.memref_squeeze %dma_wait3A_149 : memref<1x8x1024xf32, #tpu.memory_space<hbm>> -> memref<8x1024xf32, #tpu.memory_space<hbm>>
    %dma_wait3A_151 = tpu.memref_slice %arg9[%dma_wait3A_143] : memref<3x!tpu.dma_semaphore, #tpu.memory_space<semaphore_mem>> -> memref<1x!tpu.dma_semaphore, #tpu.memory_space<semaphore_mem>>
    %dma_wait3A_152 = tpu.memref_squeeze %dma_wait3A_151 : memref<1x!tpu.dma_semaphore, #tpu.memory_space<semaphore_mem>> -> memref<!tpu.dma_semaphore, #tpu.memory_space<semaphore_mem>>
    %dma_wait3A_153 = arith.constant 0 : i32
    %dma_wait3A_154 = tpu.memref_slice %arg5[%dma_wait3A_142, %add3A_135, %dma_wait3A_153] : memref<4x4096x1024xf32, #tpu.memory_space<hbm>> -> memref<1x8x1024xf32, #tpu.memory_space<hbm>>
    %dma_wait3A_155 = tpu.memref_squeeze %dma_wait3A_154 : memref<1x8x1024xf32, #tpu.memory_space<hbm>> -> memref<8x1024xf32, #tpu.memory_space<hbm>>
    %dma_wait3A_156 = arith.constant 0 : i32
    %dma_wait3A_157 = arith.constant 0 : i32
    %dma_wait3A_158 = tpu.memref_slice %arg7[%dma_wait3A, %dma_wait3A_156, %dma_wait3A_157] : memref<3x32x1024xf32, #tpu.memory_space<vmem>> -> memref<1x8x1024xf32, #tpu.memory_space<vmem>>
    %dma_wait3A_159 = tpu.memref_squeeze %dma_wait3A_158 : memref<1x8x1024xf32, #tpu.memory_space<vmem>> -> memref<8x1024xf32, #tpu.memory_space<vmem>>
    tpu.wait_dma2 semaphore(%dma_wait3A_152 : memref<!tpu.dma_semaphore, #tpu.memory_space<semaphore_mem>>) src(%dma_wait3A_159 : memref<8x1024xf32, #tpu.memory_space<vmem>>) dst(%dma_wait3A_155 : memref<8x1024xf32, #tpu.memory_space<hbm>>)
    %dma_wait3A_160 = arith.constant 1 : i32
    %dma_wait3A_161 = arith.constant 1 : i32
    %dma_wait3A_162 = arith.constant 1 : i32
    %dma_wait3A_163 = arith.constant 8 : i32
    %dma_wait3A_164 = arith.constant 0 : i32
    %dma_wait3A_165 = tpu.memref_slice %arg7[%dma_wait3A_160, %dma_wait3A_163, %dma_wait3A_164] : memref<3x32x1024xf32, #tpu.memory_space<vmem>> -> memref<1x8x1024xf32, #tpu.memory_space<vmem>>
    %dma_wait3A_166 = tpu.memref_squeeze %dma_wait3A_165 : memref<1x8x1024xf32, #tpu.memory_space<vmem>> -> memref<8x1024xf32, #tpu.memory_space<vmem>>
    %dma_wait3A_167 = arith.constant 0 : i32
    %dma_wait3A_168 = tpu.memref_slice %arg5[%dma_wait3A_161, %add3A_137, %dma_wait3A_167] : memref<4x4096x1024xf32, #tpu.memory_space<hbm>> -> memref<1x8x1024xf32, #tpu.memory_space<hbm>>
    %dma_wait3A_169 = tpu.memref_squeeze %dma_wait3A_168 : memref<1x8x1024xf32, #tpu.memory_space<hbm>> -> memref<8x1024xf32, #tpu.memory_space<hbm>>
    %dma_wait3A_170 = tpu.memref_slice %arg9[%dma_wait3A_162] : memref<3x!tpu.dma_semaphore, #tpu.memory_space<semaphore_mem>> -> memref<1x!tpu.dma_semaphore, #tpu.memory_space<semaphore_mem>>
    %dma_wait3A_171 = tpu.memref_squeeze %dma_wait3A_170 : memref<1x!tpu.dma_semaphore, #tpu.memory_space<semaphore_mem>> -> memref<!tpu.dma_semaphore, #tpu.memory_space<semaphore_mem>>
    %dma_wait3A_172 = arith.constant 0 : i32
    %dma_wait3A_173 = tpu.memref_slice %arg5[%dma_wait3A_161, %add3A_137, %dma_wait3A_172] : memref<4x4096x1024xf32, #tpu.memory_space<hbm>> -> memref<1x8x1024xf32, #tpu.memory_space<hbm>>
    %dma_wait3A_174 = tpu.memref_squeeze %dma_wait3A_173 : memref<1x8x1024xf32, #tpu.memory_space<hbm>> -> memref<8x1024xf32, #tpu.memory_space<hbm>>
    %dma_wait3A_175 = arith.constant 8 : i32
    %dma_wait3A_176 = arith.constant 0 : i32
    %dma_wait3A_177 = tpu.memref_slice %arg7[%dma_wait3A_160, %dma_wait3A_175, %dma_wait3A_176] : memref<3x32x1024xf32, #tpu.memory_space<vmem>> -> memref<1x8x1024xf32, #tpu.memory_space<vmem>>
    %dma_wait3A_178 = tpu.memref_squeeze %dma_wait3A_177 : memref<1x8x1024xf32, #tpu.memory_space<vmem>> -> memref<8x1024xf32, #tpu.memory_space<vmem>>
    tpu.wait_dma2 semaphore(%dma_wait3A_171 : memref<!tpu.dma_semaphore, #tpu.memory_space<semaphore_mem>>) src(%dma_wait3A_178 : memref<8x1024xf32, #tpu.memory_space<vmem>>) dst(%dma_wait3A_174 : memref<8x1024xf32, #tpu.memory_space<hbm>>)
    %dma_wait3A_179 = arith.constant 1 : i32
    %dma_wait3A_180 = arith.constant 2 : i32
    %dma_wait3A_181 = arith.constant 1 : i32
    %dma_wait3A_182 = arith.constant 16 : i32
    %dma_wait3A_183 = arith.constant 0 : i32
    %dma_wait3A_184 = tpu.memref_slice %arg7[%dma_wait3A_179, %dma_wait3A_182, %dma_wait3A_183] : memref<3x32x1024xf32, #tpu.memory_space<vmem>> -> memref<1x8x1024xf32, #tpu.memory_space<vmem>>
    %dma_wait3A_185 = tpu.memref_squeeze %dma_wait3A_184 : memref<1x8x1024xf32, #tpu.memory_space<vmem>> -> memref<8x1024xf32, #tpu.memory_space<vmem>>
    %dma_wait3A_186 = arith.constant 0 : i32
    %dma_wait3A_187 = tpu.memref_slice %arg5[%dma_wait3A_180, %add3A_139, %dma_wait3A_186] : memref<4x4096x1024xf32, #tpu.memory_space<hbm>> -> memref<1x8x1024xf32, #tpu.memory_space<hbm>>
    %dma_wait3A_188 = tpu.memref_squeeze %dma_wait3A_187 : memref<1x8x1024xf32, #tpu.memory_space<hbm>> -> memref<8x1024xf32, #tpu.memory_space<hbm>>
    %dma_wait3A_189 = tpu.memref_slice %arg9[%dma_wait3A_181] : memref<3x!tpu.dma_semaphore, #tpu.memory_space<semaphore_mem>> -> memref<1x!tpu.dma_semaphore, #tpu.memory_space<semaphore_mem>>
    %dma_wait3A_190 = tpu.memref_squeeze %dma_wait3A_189 : memref<1x!tpu.dma_semaphore, #tpu.memory_space<semaphore_mem>> -> memref<!tpu.dma_semaphore, #tpu.memory_space<semaphore_mem>>
    %dma_wait3A_191 = arith.constant 0 : i32
    %dma_wait3A_192 = tpu.memref_slice %arg5[%dma_wait3A_180, %add3A_139, %dma_wait3A_191] : memref<4x4096x1024xf32, #tpu.memory_space<hbm>> -> memref<1x8x1024xf32, #tpu.memory_space<hbm>>
    %dma_wait3A_193 = tpu.memref_squeeze %dma_wait3A_192 : memref<1x8x1024xf32, #tpu.memory_space<hbm>> -> memref<8x1024xf32, #tpu.memory_space<hbm>>
    %dma_wait3A_194 = arith.constant 16 : i32
    %dma_wait3A_195 = arith.constant 0 : i32
    %dma_wait3A_196 = tpu.memref_slice %arg7[%dma_wait3A_179, %dma_wait3A_194, %dma_wait3A_195] : memref<3x32x1024xf32, #tpu.memory_space<vmem>> -> memref<1x8x1024xf32, #tpu.memory_space<vmem>>
    %dma_wait3A_197 = tpu.memref_squeeze %dma_wait3A_196 : memref<1x8x1024xf32, #tpu.memory_space<vmem>> -> memref<8x1024xf32, #tpu.memory_space<vmem>>
    tpu.wait_dma2 semaphore(%dma_wait3A_190 : memref<!tpu.dma_semaphore, #tpu.memory_space<semaphore_mem>>) src(%dma_wait3A_197 : memref<8x1024xf32, #tpu.memory_space<vmem>>) dst(%dma_wait3A_193 : memref<8x1024xf32, #tpu.memory_space<hbm>>)
    %dma_wait3A_198 = arith.constant 1 : i32
    %dma_wait3A_199 = arith.constant 3 : i32
    %dma_wait3A_200 = arith.constant 1 : i32
    %dma_wait3A_201 = arith.constant 24 : i32
    %dma_wait3A_202 = arith.constant 0 : i32
    %dma_wait3A_203 = tpu.memref_slice %arg7[%dma_wait3A_198, %dma_wait3A_201, %dma_wait3A_202] : memref<3x32x1024xf32, #tpu.memory_space<vmem>> -> memref<1x8x1024xf32, #tpu.memory_space<vmem>>
    %dma_wait3A_204 = tpu.memref_squeeze %dma_wait3A_203 : memref<1x8x1024xf32, #tpu.memory_space<vmem>> -> memref<8x1024xf32, #tpu.memory_space<vmem>>
    %dma_wait3A_205 = arith.constant 0 : i32
    %dma_wait3A_206 = tpu.memref_slice %arg5[%dma_wait3A_199, %add3A_141, %dma_wait3A_205] : memref<4x4096x1024xf32, #tpu.memory_space<hbm>> -> memref<1x8x1024xf32, #tpu.memory_space<hbm>>
    %dma_wait3A_207 = tpu.memref_squeeze %dma_wait3A_206 : memref<1x8x1024xf32, #tpu.memory_space<hbm>> -> memref<8x1024xf32, #tpu.memory_space<hbm>>
    %dma_wait3A_208 = tpu.memref_slice %arg9[%dma_wait3A_200] : memref<3x!tpu.dma_semaphore, #tpu.memory_space<semaphore_mem>> -> memref<1x!tpu.dma_semaphore, #tpu.memory_space<semaphore_mem>>
    %dma_wait3A_209 = tpu.memref_squeeze %dma_wait3A_208 : memref<1x!tpu.dma_semaphore, #tpu.memory_space<semaphore_mem>> -> memref<!tpu.dma_semaphore, #tpu.memory_space<semaphore_mem>>
    %dma_wait3A_210 = arith.constant 0 : i32
    %dma_wait3A_211 = tpu.memref_slice %arg5[%dma_wait3A_199, %add3A_141, %dma_wait3A_210] : memref<4x4096x1024xf32, #tpu.memory_space<hbm>> -> memref<1x8x1024xf32, #tpu.memory_space<hbm>>
    %dma_wait3A_212 = tpu.memref_squeeze %dma_wait3A_211 : memref<1x8x1024xf32, #tpu.memory_space<hbm>> -> memref<8x1024xf32, #tpu.memory_space<hbm>>
    %dma_wait3A_213 = arith.constant 24 : i32
    %dma_wait3A_214 = arith.constant 0 : i32
    %dma_wait3A_215 = tpu.memref_slice %arg7[%dma_wait3A_198, %dma_wait3A_213, %dma_wait3A_214] : memref<3x32x1024xf32, #tpu.memory_space<vmem>> -> memref<1x8x1024xf32, #tpu.memory_space<vmem>>
    %dma_wait3A_216 = tpu.memref_squeeze %dma_wait3A_215 : memref<1x8x1024xf32, #tpu.memory_space<vmem>> -> memref<8x1024xf32, #tpu.memory_space<vmem>>
    tpu.wait_dma2 semaphore(%dma_wait3A_209 : memref<!tpu.dma_semaphore, #tpu.memory_space<semaphore_mem>>) src(%dma_wait3A_216 : memref<8x1024xf32, #tpu.memory_space<vmem>>) dst(%dma_wait3A_212 : memref<8x1024xf32, #tpu.memory_space<hbm>>)
    %add3A_217 = arith.constant 112 : i32
    %add3A_218 = arith.addi %mul3A_2, %add3A_217 : i32
    %add3A_219 = arith.constant 112 : i32
    %add3A_220 = arith.addi %mul3A_2, %add3A_219 : i32
    %add3A_221 = arith.constant 112 : i32
    %add3A_222 = arith.addi %mul3A_2, %add3A_221 : i32
    %add3A_223 = arith.constant 112 : i32
    %add3A_224 = arith.addi %mul3A_2, %add3A_223 : i32
    %dma_wait3A_225 = arith.constant 2 : i32
    %dma_wait3A_226 = arith.constant 0 : i32
    %dma_wait3A_227 = arith.constant 2 : i32
    %dma_wait3A_228 = arith.constant 0 : i32
    %dma_wait3A_229 = arith.constant 0 : i32
    %dma_wait3A_230 = tpu.memref_slice %arg7[%dma_wait3A_225, %dma_wait3A_228, %dma_wait3A_229] : memref<3x32x1024xf32, #tpu.memory_space<vmem>> -> memref<1x8x1024xf32, #tpu.memory_space<vmem>>
    %dma_wait3A_231 = tpu.memref_squeeze %dma_wait3A_230 : memref<1x8x1024xf32, #tpu.memory_space<vmem>> -> memref<8x1024xf32, #tpu.memory_space<vmem>>
    %dma_wait3A_232 = arith.constant 0 : i32
    %dma_wait3A_233 = tpu.memref_slice %arg5[%dma_wait3A_226, %add3A_218, %dma_wait3A_232] : memref<4x4096x1024xf32, #tpu.memory_space<hbm>> -> memref<1x8x1024xf32, #tpu.memory_space<hbm>>
    %dma_wait3A_234 = tpu.memref_squeeze %dma_wait3A_233 : memref<1x8x1024xf32, #tpu.memory_space<hbm>> -> memref<8x1024xf32, #tpu.memory_space<hbm>>
    %dma_wait3A_235 = tpu.memref_slice %arg9[%dma_wait3A_227] : memref<3x!tpu.dma_semaphore, #tpu.memory_space<semaphore_mem>> -> memref<1x!tpu.dma_semaphore, #tpu.memory_space<semaphore_mem>>
    %dma_wait3A_236 = tpu.memref_squeeze %dma_wait3A_235 : memref<1x!tpu.dma_semaphore, #tpu.memory_space<semaphore_mem>> -> memref<!tpu.dma_semaphore, #tpu.memory_space<semaphore_mem>>
    %dma_wait3A_237 = arith.constant 0 : i32
    %dma_wait3A_238 = tpu.memref_slice %arg5[%dma_wait3A_226, %add3A_218, %dma_wait3A_237] : memref<4x4096x1024xf32, #tpu.memory_space<hbm>> -> memref<1x8x1024xf32, #tpu.memory_space<hbm>>
    %dma_wait3A_239 = tpu.memref_squeeze %dma_wait3A_238 : memref<1x8x1024xf32, #tpu.memory_space<hbm>> -> memref<8x1024xf32, #tpu.memory_space<hbm>>
    %dma_wait3A_240 = arith.constant 0 : i32
    %dma_wait3A_241 = arith.constant 0 : i32
    %dma_wait3A_242 = tpu.memref_slice %arg7[%dma_wait3A_225, %dma_wait3A_240, %dma_wait3A_241] : memref<3x32x1024xf32, #tpu.memory_space<vmem>> -> memref<1x8x1024xf32, #tpu.memory_space<vmem>>
    %dma_wait3A_243 = tpu.memref_squeeze %dma_wait3A_242 : memref<1x8x1024xf32, #tpu.memory_space<vmem>> -> memref<8x1024xf32, #tpu.memory_space<vmem>>
    tpu.wait_dma2 semaphore(%dma_wait3A_236 : memref<!tpu.dma_semaphore, #tpu.memory_space<semaphore_mem>>) src(%dma_wait3A_243 : memref<8x1024xf32, #tpu.memory_space<vmem>>) dst(%dma_wait3A_239 : memref<8x1024xf32, #tpu.memory_space<hbm>>)
    %dma_wait3A_244 = arith.constant 2 : i32
    %dma_wait3A_245 = arith.constant 1 : i32
    %dma_wait3A_246 = arith.constant 2 : i32
    %dma_wait3A_247 = arith.constant 8 : i32
    %dma_wait3A_248 = arith.constant 0 : i32
    %dma_wait3A_249 = tpu.memref_slice %arg7[%dma_wait3A_244, %dma_wait3A_247, %dma_wait3A_248] : memref<3x32x1024xf32, #tpu.memory_space<vmem>> -> memref<1x8x1024xf32, #tpu.memory_space<vmem>>
    %dma_wait3A_250 = tpu.memref_squeeze %dma_wait3A_249 : memref<1x8x1024xf32, #tpu.memory_space<vmem>> -> memref<8x1024xf32, #tpu.memory_space<vmem>>
    %dma_wait3A_251 = arith.constant 0 : i32
    %dma_wait3A_252 = tpu.memref_slice %arg5[%dma_wait3A_245, %add3A_220, %dma_wait3A_251] : memref<4x4096x1024xf32, #tpu.memory_space<hbm>> -> memref<1x8x1024xf32, #tpu.memory_space<hbm>>
    %dma_wait3A_253 = tpu.memref_squeeze %dma_wait3A_252 : memref<1x8x1024xf32, #tpu.memory_space<hbm>> -> memref<8x1024xf32, #tpu.memory_space<hbm>>
    %dma_wait3A_254 = tpu.memref_slice %arg9[%dma_wait3A_246] : memref<3x!tpu.dma_semaphore, #tpu.memory_space<semaphore_mem>> -> memref<1x!tpu.dma_semaphore, #tpu.memory_space<semaphore_mem>>
    %dma_wait3A_255 = tpu.memref_squeeze %dma_wait3A_254 : memref<1x!tpu.dma_semaphore, #tpu.memory_space<semaphore_mem>> -> memref<!tpu.dma_semaphore, #tpu.memory_space<semaphore_mem>>
    %dma_wait3A_256 = arith.constant 0 : i32
    %dma_wait3A_257 = tpu.memref_slice %arg5[%dma_wait3A_245, %add3A_220, %dma_wait3A_256] : memref<4x4096x1024xf32, #tpu.memory_space<hbm>> -> memref<1x8x1024xf32, #tpu.memory_space<hbm>>
    %dma_wait3A_258 = tpu.memref_squeeze %dma_wait3A_257 : memref<1x8x1024xf32, #tpu.memory_space<hbm>> -> memref<8x1024xf32, #tpu.memory_space<hbm>>
    %dma_wait3A_259 = arith.constant 8 : i32
    %dma_wait3A_260 = arith.constant 0 : i32
    %dma_wait3A_261 = tpu.memref_slice %arg7[%dma_wait3A_244, %dma_wait3A_259, %dma_wait3A_260] : memref<3x32x1024xf32, #tpu.memory_space<vmem>> -> memref<1x8x1024xf32, #tpu.memory_space<vmem>>
    %dma_wait3A_262 = tpu.memref_squeeze %dma_wait3A_261 : memref<1x8x1024xf32, #tpu.memory_space<vmem>> -> memref<8x1024xf32, #tpu.memory_space<vmem>>
    tpu.wait_dma2 semaphore(%dma_wait3A_255 : memref<!tpu.dma_semaphore, #tpu.memory_space<semaphore_mem>>) src(%dma_wait3A_262 : memref<8x1024xf32, #tpu.memory_space<vmem>>) dst(%dma_wait3A_258 : memref<8x1024xf32, #tpu.memory_space<hbm>>)
    %dma_wait3A_263 = arith.constant 2 : i32
    %dma_wait3A_264 = arith.constant 2 : i32
    %dma_wait3A_265 = arith.constant 2 : i32
    %dma_wait3A_266 = arith.constant 16 : i32
    %dma_wait3A_267 = arith.constant 0 : i32
    %dma_wait3A_268 = tpu.memref_slice %arg7[%dma_wait3A_263, %dma_wait3A_266, %dma_wait3A_267] : memref<3x32x1024xf32, #tpu.memory_space<vmem>> -> memref<1x8x1024xf32, #tpu.memory_space<vmem>>
    %dma_wait3A_269 = tpu.memref_squeeze %dma_wait3A_268 : memref<1x8x1024xf32, #tpu.memory_space<vmem>> -> memref<8x1024xf32, #tpu.memory_space<vmem>>
    %dma_wait3A_270 = arith.constant 0 : i32
    %dma_wait3A_271 = tpu.memref_slice %arg5[%dma_wait3A_264, %add3A_222, %dma_wait3A_270] : memref<4x4096x1024xf32, #tpu.memory_space<hbm>> -> memref<1x8x1024xf32, #tpu.memory_space<hbm>>
    %dma_wait3A_272 = tpu.memref_squeeze %dma_wait3A_271 : memref<1x8x1024xf32, #tpu.memory_space<hbm>> -> memref<8x1024xf32, #tpu.memory_space<hbm>>
    %dma_wait3A_273 = tpu.memref_slice %arg9[%dma_wait3A_265] : memref<3x!tpu.dma_semaphore, #tpu.memory_space<semaphore_mem>> -> memref<1x!tpu.dma_semaphore, #tpu.memory_space<semaphore_mem>>
    %dma_wait3A_274 = tpu.memref_squeeze %dma_wait3A_273 : memref<1x!tpu.dma_semaphore, #tpu.memory_space<semaphore_mem>> -> memref<!tpu.dma_semaphore, #tpu.memory_space<semaphore_mem>>
    %dma_wait3A_275 = arith.constant 0 : i32
    %dma_wait3A_276 = tpu.memref_slice %arg5[%dma_wait3A_264, %add3A_222, %dma_wait3A_275] : memref<4x4096x1024xf32, #tpu.memory_space<hbm>> -> memref<1x8x1024xf32, #tpu.memory_space<hbm>>
    %dma_wait3A_277 = tpu.memref_squeeze %dma_wait3A_276 : memref<1x8x1024xf32, #tpu.memory_space<hbm>> -> memref<8x1024xf32, #tpu.memory_space<hbm>>
    %dma_wait3A_278 = arith.constant 16 : i32
    %dma_wait3A_279 = arith.constant 0 : i32
    %dma_wait3A_280 = tpu.memref_slice %arg7[%dma_wait3A_263, %dma_wait3A_278, %dma_wait3A_279] : memref<3x32x1024xf32, #tpu.memory_space<vmem>> -> memref<1x8x1024xf32, #tpu.memory_space<vmem>>
    %dma_wait3A_281 = tpu.memref_squeeze %dma_wait3A_280 : memref<1x8x1024xf32, #tpu.memory_space<vmem>> -> memref<8x1024xf32, #tpu.memory_space<vmem>>
    tpu.wait_dma2 semaphore(%dma_wait3A_274 : memref<!tpu.dma_semaphore, #tpu.memory_space<semaphore_mem>>) src(%dma_wait3A_281 : memref<8x1024xf32, #tpu.memory_space<vmem>>) dst(%dma_wait3A_277 : memref<8x1024xf32, #tpu.memory_space<hbm>>)
    %dma_wait3A_282 = arith.constant 2 : i32
    %dma_wait3A_283 = arith.constant 3 : i32
    %dma_wait3A_284 = arith.constant 2 : i32
    %dma_wait3A_285 = arith.constant 24 : i32
    %dma_wait3A_286 = arith.constant 0 : i32
    %dma_wait3A_287 = tpu.memref_slice %arg7[%dma_wait3A_282, %dma_wait3A_285, %dma_wait3A_286] : memref<3x32x1024xf32, #tpu.memory_space<vmem>> -> memref<1x8x1024xf32, #tpu.memory_space<vmem>>
    %dma_wait3A_288 = tpu.memref_squeeze %dma_wait3A_287 : memref<1x8x1024xf32, #tpu.memory_space<vmem>> -> memref<8x1024xf32, #tpu.memory_space<vmem>>
    %dma_wait3A_289 = arith.constant 0 : i32
    %dma_wait3A_290 = tpu.memref_slice %arg5[%dma_wait3A_283, %add3A_224, %dma_wait3A_289] : memref<4x4096x1024xf32, #tpu.memory_space<hbm>> -> memref<1x8x1024xf32, #tpu.memory_space<hbm>>
    %dma_wait3A_291 = tpu.memref_squeeze %dma_wait3A_290 : memref<1x8x1024xf32, #tpu.memory_space<hbm>> -> memref<8x1024xf32, #tpu.memory_space<hbm>>
    %dma_wait3A_292 = tpu.memref_slice %arg9[%dma_wait3A_284] : memref<3x!tpu.dma_semaphore, #tpu.memory_space<semaphore_mem>> -> memref<1x!tpu.dma_semaphore, #tpu.memory_space<semaphore_mem>>
    %dma_wait3A_293 = tpu.memref_squeeze %dma_wait3A_292 : memref<1x!tpu.dma_semaphore, #tpu.memory_space<semaphore_mem>> -> memref<!tpu.dma_semaphore, #tpu.memory_space<semaphore_mem>>
    %dma_wait3A_294 = arith.constant 0 : i32
    %dma_wait3A_295 = tpu.memref_slice %arg5[%dma_wait3A_283, %add3A_224, %dma_wait3A_294] : memref<4x4096x1024xf32, #tpu.memory_space<hbm>> -> memref<1x8x1024xf32, #tpu.memory_space<hbm>>
    %dma_wait3A_296 = tpu.memref_squeeze %dma_wait3A_295 : memref<1x8x1024xf32, #tpu.memory_space<hbm>> -> memref<8x1024xf32, #tpu.memory_space<hbm>>
    %dma_wait3A_297 = arith.constant 24 : i32
    %dma_wait3A_298 = arith.constant 0 : i32
    %dma_wait3A_299 = tpu.memref_slice %arg7[%dma_wait3A_282, %dma_wait3A_297, %dma_wait3A_298] : memref<3x32x1024xf32, #tpu.memory_space<vmem>> -> memref<1x8x1024xf32, #tpu.memory_space<vmem>>
    %dma_wait3A_300 = tpu.memref_squeeze %dma_wait3A_299 : memref<1x8x1024xf32, #tpu.memory_space<vmem>> -> memref<8x1024xf32, #tpu.memory_space<vmem>>
    tpu.wait_dma2 semaphore(%dma_wait3A_293 : memref<!tpu.dma_semaphore, #tpu.memory_space<semaphore_mem>>) src(%dma_wait3A_300 : memref<8x1024xf32, #tpu.memory_space<vmem>>) dst(%dma_wait3A_296 : memref<8x1024xf32, #tpu.memory_space<hbm>>)
    %add3A_301 = arith.constant 120 : i32
    %add3A_302 = arith.addi %mul3A_2, %add3A_301 : i32
    %add3A_303 = arith.constant 120 : i32
    %add3A_304 = arith.addi %mul3A_2, %add3A_303 : i32
    %add3A_305 = arith.constant 120 : i32
    %add3A_306 = arith.addi %mul3A_2, %add3A_305 : i32
    %add3A_307 = arith.constant 120 : i32
    %add3A_308 = arith.addi %mul3A_2, %add3A_307 : i32
    %dma_wait3A_309 = arith.constant 0 : i32
    %dma_wait3A_310 = arith.constant 0 : i32
    %dma_wait3A_311 = arith.constant 0 : i32
    %dma_wait3A_312 = arith.constant 0 : i32
    %dma_wait3A_313 = arith.constant 0 : i32
    %dma_wait3A_314 = tpu.memref_slice %arg7[%dma_wait3A_309, %dma_wait3A_312, %dma_wait3A_313] : memref<3x32x1024xf32, #tpu.memory_space<vmem>> -> memref<1x8x1024xf32, #tpu.memory_space<vmem>>
    %dma_wait3A_315 = tpu.memref_squeeze %dma_wait3A_314 : memref<1x8x1024xf32, #tpu.memory_space<vmem>> -> memref<8x1024xf32, #tpu.memory_space<vmem>>
    %dma_wait3A_316 = arith.constant 0 : i32
    %dma_wait3A_317 = tpu.memref_slice %arg5[%dma_wait3A_310, %add3A_302, %dma_wait3A_316] : memref<4x4096x1024xf32, #tpu.memory_space<hbm>> -> memref<1x8x1024xf32, #tpu.memory_space<hbm>>
    %dma_wait3A_318 = tpu.memref_squeeze %dma_wait3A_317 : memref<1x8x1024xf32, #tpu.memory_space<hbm>> -> memref<8x1024xf32, #tpu.memory_space<hbm>>
    %dma_wait3A_319 = tpu.memref_slice %arg9[%dma_wait3A_311] : memref<3x!tpu.dma_semaphore, #tpu.memory_space<semaphore_mem>> -> memref<1x!tpu.dma_semaphore, #tpu.memory_space<semaphore_mem>>
    %dma_wait3A_320 = tpu.memref_squeeze %dma_wait3A_319 : memref<1x!tpu.dma_semaphore, #tpu.memory_space<semaphore_mem>> -> memref<!tpu.dma_semaphore, #tpu.memory_space<semaphore_mem>>
    %dma_wait3A_321 = arith.constant 0 : i32
    %dma_wait3A_322 = tpu.memref_slice %arg5[%dma_wait3A_310, %add3A_302, %dma_wait3A_321] : memref<4x4096x1024xf32, #tpu.memory_space<hbm>> -> memref<1x8x1024xf32, #tpu.memory_space<hbm>>
    %dma_wait3A_323 = tpu.memref_squeeze %dma_wait3A_322 : memref<1x8x1024xf32, #tpu.memory_space<hbm>> -> memref<8x1024xf32, #tpu.memory_space<hbm>>
    %dma_wait3A_324 = arith.constant 0 : i32
    %dma_wait3A_325 = arith.constant 0 : i32
    %dma_wait3A_326 = tpu.memref_slice %arg7[%dma_wait3A_309, %dma_wait3A_324, %dma_wait3A_325] : memref<3x32x1024xf32, #tpu.memory_space<vmem>> -> memref<1x8x1024xf32, #tpu.memory_space<vmem>>
    %dma_wait3A_327 = tpu.memref_squeeze %dma_wait3A_326 : memref<1x8x1024xf32, #tpu.memory_space<vmem>> -> memref<8x1024xf32, #tpu.memory_space<vmem>>
    tpu.wait_dma2 semaphore(%dma_wait3A_320 : memref<!tpu.dma_semaphore, #tpu.memory_space<semaphore_mem>>) src(%dma_wait3A_327 : memref<8x1024xf32, #tpu.memory_space<vmem>>) dst(%dma_wait3A_323 : memref<8x1024xf32, #tpu.memory_space<hbm>>)
    %dma_wait3A_328 = arith.constant 0 : i32
    %dma_wait3A_329 = arith.constant 1 : i32
    %dma_wait3A_330 = arith.constant 0 : i32
    %dma_wait3A_331 = arith.constant 8 : i32
    %dma_wait3A_332 = arith.constant 0 : i32
    %dma_wait3A_333 = tpu.memref_slice %arg7[%dma_wait3A_328, %dma_wait3A_331, %dma_wait3A_332] : memref<3x32x1024xf32, #tpu.memory_space<vmem>> -> memref<1x8x1024xf32, #tpu.memory_space<vmem>>
    %dma_wait3A_334 = tpu.memref_squeeze %dma_wait3A_333 : memref<1x8x1024xf32, #tpu.memory_space<vmem>> -> memref<8x1024xf32, #tpu.memory_space<vmem>>
    %dma_wait3A_335 = arith.constant 0 : i32
    %dma_wait3A_336 = tpu.memref_slice %arg5[%dma_wait3A_329, %add3A_304, %dma_wait3A_335] : memref<4x4096x1024xf32, #tpu.memory_space<hbm>> -> memref<1x8x1024xf32, #tpu.memory_space<hbm>>
    %dma_wait3A_337 = tpu.memref_squeeze %dma_wait3A_336 : memref<1x8x1024xf32, #tpu.memory_space<hbm>> -> memref<8x1024xf32, #tpu.memory_space<hbm>>
    %dma_wait3A_338 = tpu.memref_slice %arg9[%dma_wait3A_330] : memref<3x!tpu.dma_semaphore, #tpu.memory_space<semaphore_mem>> -> memref<1x!tpu.dma_semaphore, #tpu.memory_space<semaphore_mem>>
    %dma_wait3A_339 = tpu.memref_squeeze %dma_wait3A_338 : memref<1x!tpu.dma_semaphore, #tpu.memory_space<semaphore_mem>> -> memref<!tpu.dma_semaphore, #tpu.memory_space<semaphore_mem>>
    %dma_wait3A_340 = arith.constant 0 : i32
    %dma_wait3A_341 = tpu.memref_slice %arg5[%dma_wait3A_329, %add3A_304, %dma_wait3A_340] : memref<4x4096x1024xf32, #tpu.memory_space<hbm>> -> memref<1x8x1024xf32, #tpu.memory_space<hbm>>
    %dma_wait3A_342 = tpu.memref_squeeze %dma_wait3A_341 : memref<1x8x1024xf32, #tpu.memory_space<hbm>> -> memref<8x1024xf32, #tpu.memory_space<hbm>>
    %dma_wait3A_343 = arith.constant 8 : i32
    %dma_wait3A_344 = arith.constant 0 : i32
    %dma_wait3A_345 = tpu.memref_slice %arg7[%dma_wait3A_328, %dma_wait3A_343, %dma_wait3A_344] : memref<3x32x1024xf32, #tpu.memory_space<vmem>> -> memref<1x8x1024xf32, #tpu.memory_space<vmem>>
    %dma_wait3A_346 = tpu.memref_squeeze %dma_wait3A_345 : memref<1x8x1024xf32, #tpu.memory_space<vmem>> -> memref<8x1024xf32, #tpu.memory_space<vmem>>
    tpu.wait_dma2 semaphore(%dma_wait3A_339 : memref<!tpu.dma_semaphore, #tpu.memory_space<semaphore_mem>>) src(%dma_wait3A_346 : memref<8x1024xf32, #tpu.memory_space<vmem>>) dst(%dma_wait3A_342 : memref<8x1024xf32, #tpu.memory_space<hbm>>)
    %dma_wait3A_347 = arith.constant 0 : i32
    %dma_wait3A_348 = arith.constant 2 : i32
    %dma_wait3A_349 = arith.constant 0 : i32
    %dma_wait3A_350 = arith.constant 16 : i32
    %dma_wait3A_351 = arith.constant 0 : i32
    %dma_wait3A_352 = tpu.memref_slice %arg7[%dma_wait3A_347, %dma_wait3A_350, %dma_wait3A_351] : memref<3x32x1024xf32, #tpu.memory_space<vmem>> -> memref<1x8x1024xf32, #tpu.memory_space<vmem>>
    %dma_wait3A_353 = tpu.memref_squeeze %dma_wait3A_352 : memref<1x8x1024xf32, #tpu.memory_space<vmem>> -> memref<8x1024xf32, #tpu.memory_space<vmem>>
    %dma_wait3A_354 = arith.constant 0 : i32
    %dma_wait3A_355 = tpu.memref_slice %arg5[%dma_wait3A_348, %add3A_306, %dma_wait3A_354] : memref<4x4096x1024xf32, #tpu.memory_space<hbm>> -> memref<1x8x1024xf32, #tpu.memory_space<hbm>>
    %dma_wait3A_356 = tpu.memref_squeeze %dma_wait3A_355 : memref<1x8x1024xf32, #tpu.memory_space<hbm>> -> memref<8x1024xf32, #tpu.memory_space<hbm>>
    %dma_wait3A_357 = tpu.memref_slice %arg9[%dma_wait3A_349] : memref<3x!tpu.dma_semaphore, #tpu.memory_space<semaphore_mem>> -> memref<1x!tpu.dma_semaphore, #tpu.memory_space<semaphore_mem>>
    %dma_wait3A_358 = tpu.memref_squeeze %dma_wait3A_357 : memref<1x!tpu.dma_semaphore, #tpu.memory_space<semaphore_mem>> -> memref<!tpu.dma_semaphore, #tpu.memory_space<semaphore_mem>>
    %dma_wait3A_359 = arith.constant 0 : i32
    %dma_wait3A_360 = tpu.memref_slice %arg5[%dma_wait3A_348, %add3A_306, %dma_wait3A_359] : memref<4x4096x1024xf32, #tpu.memory_space<hbm>> -> memref<1x8x1024xf32, #tpu.memory_space<hbm>>
    %dma_wait3A_361 = tpu.memref_squeeze %dma_wait3A_360 : memref<1x8x1024xf32, #tpu.memory_space<hbm>> -> memref<8x1024xf32, #tpu.memory_space<hbm>>
    %dma_wait3A_362 = arith.constant 16 : i32
    %dma_wait3A_363 = arith.constant 0 : i32
    %dma_wait3A_364 = tpu.memref_slice %arg7[%dma_wait3A_347, %dma_wait3A_362, %dma_wait3A_363] : memref<3x32x1024xf32, #tpu.memory_space<vmem>> -> memref<1x8x1024xf32, #tpu.memory_space<vmem>>
    %dma_wait3A_365 = tpu.memref_squeeze %dma_wait3A_364 : memref<1x8x1024xf32, #tpu.memory_space<vmem>> -> memref<8x1024xf32, #tpu.memory_space<vmem>>
    tpu.wait_dma2 semaphore(%dma_wait3A_358 : memref<!tpu.dma_semaphore, #tpu.memory_space<semaphore_mem>>) src(%dma_wait3A_365 : memref<8x1024xf32, #tpu.memory_space<vmem>>) dst(%dma_wait3A_361 : memref<8x1024xf32, #tpu.memory_space<hbm>>)
    %dma_wait3A_366 = arith.constant 0 : i32
    %dma_wait3A_367 = arith.constant 3 : i32
    %dma_wait3A_368 = arith.constant 0 : i32
    %dma_wait3A_369 = arith.constant 24 : i32
    %dma_wait3A_370 = arith.constant 0 : i32
    %dma_wait3A_371 = tpu.memref_slice %arg7[%dma_wait3A_366, %dma_wait3A_369, %dma_wait3A_370] : memref<3x32x1024xf32, #tpu.memory_space<vmem>> -> memref<1x8x1024xf32, #tpu.memory_space<vmem>>
    %dma_wait3A_372 = tpu.memref_squeeze %dma_wait3A_371 : memref<1x8x1024xf32, #tpu.memory_space<vmem>> -> memref<8x1024xf32, #tpu.memory_space<vmem>>
    %dma_wait3A_373 = arith.constant 0 : i32
    %dma_wait3A_374 = tpu.memref_slice %arg5[%dma_wait3A_367, %add3A_308, %dma_wait3A_373] : memref<4x4096x1024xf32, #tpu.memory_space<hbm>> -> memref<1x8x1024xf32, #tpu.memory_space<hbm>>
    %dma_wait3A_375 = tpu.memref_squeeze %dma_wait3A_374 : memref<1x8x1024xf32, #tpu.memory_space<hbm>> -> memref<8x1024xf32, #tpu.memory_space<hbm>>
    %dma_wait3A_376 = tpu.memref_slice %arg9[%dma_wait3A_368] : memref<3x!tpu.dma_semaphore, #tpu.memory_space<semaphore_mem>> -> memref<1x!tpu.dma_semaphore, #tpu.memory_space<semaphore_mem>>
    %dma_wait3A_377 = tpu.memref_squeeze %dma_wait3A_376 : memref<1x!tpu.dma_semaphore, #tpu.memory_space<semaphore_mem>> -> memref<!tpu.dma_semaphore, #tpu.memory_space<semaphore_mem>>
    %dma_wait3A_378 = arith.constant 0 : i32
    %dma_wait3A_379 = tpu.memref_slice %arg5[%dma_wait3A_367, %add3A_308, %dma_wait3A_378] : memref<4x4096x1024xf32, #tpu.memory_space<hbm>> -> memref<1x8x1024xf32, #tpu.memory_space<hbm>>
    %dma_wait3A_380 = tpu.memref_squeeze %dma_wait3A_379 : memref<1x8x1024xf32, #tpu.memory_space<hbm>> -> memref<8x1024xf32, #tpu.memory_space<hbm>>
    %dma_wait3A_381 = arith.constant 24 : i32
    %dma_wait3A_382 = arith.constant 0 : i32
    %dma_wait3A_383 = tpu.memref_slice %arg7[%dma_wait3A_366, %dma_wait3A_381, %dma_wait3A_382] : memref<3x32x1024xf32, #tpu.memory_space<vmem>> -> memref<1x8x1024xf32, #tpu.memory_space<vmem>>
    %dma_wait3A_384 = tpu.memref_squeeze %dma_wait3A_383 : memref<1x8x1024xf32, #tpu.memory_space<vmem>> -> memref<8x1024xf32, #tpu.memory_space<vmem>>
    tpu.wait_dma2 semaphore(%dma_wait3A_377 : memref<!tpu.dma_semaphore, #tpu.memory_space<semaphore_mem>>) src(%dma_wait3A_384 : memref<8x1024xf32, #tpu.memory_space<vmem>>) dst(%dma_wait3A_380 : memref<8x1024xf32, #tpu.memory_space<hbm>>)
    return
  }
}

module attributes {stable_mosaic.version = 14 : i64} {
  func.func @_ln_body(%arg0: i32, %arg1: i32, %arg2: memref<1x512x1024xf32, #tpu.memory_space<vmem>>, %arg3: memref<512x1024xf32, #tpu.memory_space<vmem>>, %arg4: memref<1x1024xf32, #tpu.memory_space<vmem>>, %arg5: memref<1x1024xf32, #tpu.memory_space<vmem>>, %arg6: memref<1x512x1024xf32, #tpu.memory_space<vmem>>) attributes {dimension_semantics = [#tpu.dimension_semantics<arbitrary>, #tpu.dimension_semantics<arbitrary>], iteration_bounds = array<i64: 8, 4>, scalar_prefetch = 0 : i64, scratch_operands = 0 : i64, tpu.core_type = #tpu.core_type<tc>, window_params = [{transform_indices = @transform_0, window_bounds = array<i64: 1, 512, 1024>}, {transform_indices = @transform_1, window_bounds = array<i64: 512, 1024>}, {pipeline_mode = #tpu.pipeline_mode<synchronous>, transform_indices = @transform_2, window_bounds = array<i64: 1, 1024>}, {pipeline_mode = #tpu.pipeline_mode<synchronous>, transform_indices = @transform_3, window_bounds = array<i64: 1, 1024>}, {transform_indices = @transform_4, window_bounds = array<i64: 1, 512, 1024>}]} {
    %get3A = arith.constant 0 : index
    %get3A_0 = arith.constant 0 : index
    %get3A_1 = arith.constant 0 : index
    %get3A_2 = vector.load %arg2[%get3A, %get3A_0, %get3A_1] : memref<1x512x1024xf32, #tpu.memory_space<vmem>>, vector<1x512x1024xf32>
    %get3A_3 = vector.shape_cast %get3A_2 : vector<1x512x1024xf32> to vector<512x1024xf32>
    %get3A_4 = arith.constant 0 : index
    %get3A_5 = arith.constant 0 : index
    %get3A_6 = vector.load %arg3[%get3A_4, %get3A_5] : memref<512x1024xf32, #tpu.memory_space<vmem>>, vector<512x1024xf32>
    %add3A = arith.addf %get3A_3, %get3A_6 : vector<512x1024xf32>
    %reduce_sum3A = arith.constant dense<0.000000e+00> : vector<512xf32>
    %reduce_sum3A_7 = vector.multi_reduction <add>, %add3A, %reduce_sum3A [1] : vector<512x1024xf32> to vector<512xf32>
    %broadcast_in_dim3A = vector.shape_cast %reduce_sum3A_7 : vector<512xf32> to vector<512x1xf32>
    %div3A = arith.constant 1.024000e+03 : f32
    %div3A_8 = vector.broadcast %div3A : f32 to vector<512x1xf32>
    %div3A_9 = arith.divf %broadcast_in_dim3A, %div3A_8 : vector<512x1xf32>
    %mul3A = arith.mulf %add3A, %add3A : vector<512x1024xf32>
    %reduce_sum3A_10 = arith.constant dense<0.000000e+00> : vector<512xf32>
    %reduce_sum3A_11 = vector.multi_reduction <add>, %mul3A, %reduce_sum3A_10 [1] : vector<512x1024xf32> to vector<512xf32>
    %broadcast_in_dim3A_12 = vector.shape_cast %reduce_sum3A_11 : vector<512xf32> to vector<512x1xf32>
    %div3A_13 = arith.constant 1.024000e+03 : f32
    %div3A_14 = vector.broadcast %div3A_13 : f32 to vector<512x1xf32>
    %div3A_15 = arith.divf %broadcast_in_dim3A_12, %div3A_14 : vector<512x1xf32>
    %mul3A_16 = arith.mulf %div3A_9, %div3A_9 : vector<512x1xf32>
    %sub3A = arith.subf %div3A_15, %mul3A_16 : vector<512x1xf32>
    %add3A_17 = arith.constant 9.99999974E-6 : f32
    %add3A_18 = vector.broadcast %add3A_17 : f32 to vector<512x1xf32>
    %add3A_19 = arith.addf %sub3A, %add3A_18 : vector<512x1xf32>
    %rsqrt3A = math.rsqrt %add3A_19 : vector<512x1xf32>
    %mul3A_20 = vector.broadcast %rsqrt3A : vector<512x1xf32> to vector<512x1024xf32>
    %mul3A_21 = arith.mulf %add3A, %mul3A_20 : vector<512x1024xf32>
    %mul3A_22 = arith.mulf %div3A_9, %rsqrt3A : vector<512x1xf32>
    %sub3A_23 = vector.broadcast %mul3A_22 : vector<512x1xf32> to vector<512x1024xf32>
    %sub3A_24 = arith.subf %mul3A_21, %sub3A_23 : vector<512x1024xf32>
    %get3A_25 = arith.constant 0 : index
    %get3A_26 = arith.constant 0 : index
    %get3A_27 = vector.load %arg4[%get3A_25, %get3A_26] : memref<1x1024xf32, #tpu.memory_space<vmem>>, vector<1x1024xf32>
    %get3A_28 = vector.shape_cast %get3A_27 : vector<1x1024xf32> to vector<1024xf32>
    %broadcast_in_dim3A_29 = vector.shape_cast %get3A_28 : vector<1024xf32> to vector<1x1024xf32>
    %mul3A_30 = vector.broadcast %broadcast_in_dim3A_29 : vector<1x1024xf32> to vector<512x1024xf32>
    %mul3A_31 = arith.mulf %sub3A_24, %mul3A_30 : vector<512x1024xf32>
    %get3A_32 = arith.constant 0 : index
    %get3A_33 = arith.constant 0 : index
    %get3A_34 = vector.load %arg5[%get3A_32, %get3A_33] : memref<1x1024xf32, #tpu.memory_space<vmem>>, vector<1x1024xf32>
    %get3A_35 = vector.shape_cast %get3A_34 : vector<1x1024xf32> to vector<1024xf32>
    %broadcast_in_dim3A_36 = vector.shape_cast %get3A_35 : vector<1024xf32> to vector<1x1024xf32>
    %add3A_37 = vector.broadcast %broadcast_in_dim3A_36 : vector<1x1024xf32> to vector<512x1024xf32>
    %add3A_38 = arith.addf %mul3A_31, %add3A_37 : vector<512x1024xf32>
    %swap3A = arith.constant 0 : index
    %swap3A_39 = arith.constant 0 : index
    %swap3A_40 = arith.constant 0 : index
    %swap3A_41 = vector.load %arg6[%swap3A, %swap3A_39, %swap3A_40] : memref<1x512x1024xf32, #tpu.memory_space<vmem>>, vector<1x512x1024xf32>
    %swap3A_42 = vector.shape_cast %swap3A_41 : vector<1x512x1024xf32> to vector<512x1024xf32>
    %swap3A_43 = vector.shape_cast %add3A_38 : vector<512x1024xf32> to vector<1x512x1024xf32>
    tpu.vector_store %arg6[%swap3A, %swap3A_39, %swap3A_40], %swap3A_43 {strides = array<i32>} : memref<1x512x1024xf32, #tpu.memory_space<vmem>>, vector<1x512x1024xf32>,
    return
  }
  func.func @transform_0(%arg0: i32, %arg1: i32) -> (i32, i32, i32) {
    %c0_i32 = arith.constant 0 : i32
    %c0_i32_0 = arith.constant 0 : i32
    return %arg1, %arg0, %c0_i32 : i32, i32, i32
  }
  func.func @transform_1(%arg0: i32, %arg1: i32) -> (i32, i32) {
    %c0_i32 = arith.constant 0 : i32
    %c0_i32_0 = arith.constant 0 : i32
    return %arg0, %c0_i32 : i32, i32
  }
  func.func @transform_2(%arg0: i32, %arg1: i32) -> (i32, i32) {
    %c0_i32 = arith.constant 0 : i32
    %c0_i32_0 = arith.constant 0 : i32
    %c0_i32_1 = arith.constant 0 : i32
    return %c0_i32, %c0_i32_0 : i32, i32
  }
  func.func @transform_3(%arg0: i32, %arg1: i32) -> (i32, i32) {
    %c0_i32 = arith.constant 0 : i32
    %c0_i32_0 = arith.constant 0 : i32
    %c0_i32_1 = arith.constant 0 : i32
    return %c0_i32, %c0_i32_0 : i32, i32
  }
  func.func @transform_4(%arg0: i32, %arg1: i32) -> (i32, i32, i32) {
    %c0_i32 = arith.constant 0 : i32
    %c0_i32_0 = arith.constant 0 : i32
    return %arg1, %arg0, %c0_i32 : i32, i32, i32
  }
}

</mosaic_0001>

<sc_bundles>
// kernel: kernel.4.cloned.1.call-start
scs
__scs_entry_jumppad:
0x0: {  	(pc) =	sbr.rel $0x88, $3  }
0x1: {  	(tag) =	ssettag $0x0;
	lr =	simm.s32 $0x1  }
0x2: {  	[smem:$0x3F9C] =	sst lr;
	_ =	strace $0xD0000000  }
0x3: {  	_ = 	snop  }
0x4: {  	_ = 	snop  }
0x5: {  	_ = 	snop  }
0x6: {  	_ = 	snop  }
0x7: {  	_ = 	snop  }
__scs_overlays_trampoline_lowered:
0x8: {  	[smem:$0x3FAB] =	sst s0  }
0x9: {  	[smem:$0x3FAC] =	sst s1  }
0xa: {  	[smem:$0x3FAD] =	sst s2  }
0xb: {  	[smem:$0x3FAE] =	sst s3  }
0xc: {  	[smem:$0x3FAF] =	sst s4  }
0xd: {  	[smem:$0x3FB0] =	sst s5  }
0xe: {  	[smem:$0x3FB1] =	sst s6  }
0xf: {  	[smem:$0x3FB2] =	sst s7  }
0x10: {  	[smem:$0x3FB3] =	sst s8  }
0x11: {  	[smem:$0x3FB4] =	sst s9;
	s0 =	simm.s32 @!p0 $0x0  }
0x12: {  	s1 =	sld [smem:$0x3F9A];
	s0 =	simm.s32 @p0 $0x1  }
0x13: {  	[smem:$0x3FB5] =	sst s0;
	s0 =	simm.s32 @!p1 $0x0  }
0x14: {  	s2 =	sld [smem:$0x3F99];
	s0 =	simm.s32 @p1 $0x1  }
0x15: {  	[smem:$0x3FB6] =	sst s0;
	s0 =	simm.s32 @!p2 $0x0  }
0x16: {  	s3 =	sld [smem:$0x3FDB];
	s0 =	simm.s32 @p2 $0x1  }
0x17: {  	s4 =	simm.s32 $0x1BF5;
	[smem:$0x3FB8] =	sst s0  }
0x18: {  	s0 =	sld [smem:$0x3F9B];
	_ =	swait.ge [sflag:s4], $0x0  }
0x19: {  	s7 =	sld [smem:$0x3F9C]  }
0x1a: {  	s8 =	sadd.s32 $0xFFFFE003, lr  }
0x1b: {  	s9 =	sadd.s32 $0xFFFFFEF7, lr;
	s5 =	simm.s32 $0xFFFFFFFF;
	p2 =	slt.u32 s8, $0xFFFFF086  }
0x1c: {  	p1 =	slt.u32 s9, $0xF7A;
	s5 =	simm.s32 @!p2 $0x0  }
0x1d: {  	s5 =	simm.s32 @p1 $0x1;
	p0 =	seq.s32 s7, s2  }
0x1e: {  	s7 =	smul.u32 @!p0 $0xF7A, s2;
	p2 =	seq.s32 @!p0 s5, $0x0  }
0x1f: {  	s9 =	smul.u32 $0xF7A, s1;
	s8 =	simm.s32 @!p0 $0x1BF5;
	p2 =	por !p2, p0  }
0x20: {  	[sflag:s8] =	ssyncset.s32 @!p0 $0xFFFFF086;
	s6 =	sadd.s32 @!p0 s3, s7;
	s7 =	simm.s32 @!p0 $0x108  }
0x21: {  	s3 =	sadd.s32 s3, s9;
	s6 =	sadd.s32 @!p0 $0x88, s6;
	s7 =	simm.s32 @p2 $0x1082  }
0x22: {  	[simem:s7], [sflag:s8] =	dma.local @!p0 [hbm:s6], $0xF7A  }
0x23: {  	s9 =	sor.u32 $0xD0000000, s2;
	s6 =	simm.s32 $0x108;
	_ =	swait.ge @!p0 [sflag:s8], $0x0  }
0x24: {  	s3 =	sadd.s32 $0x88, s3;
	s6 =	simm.s32 @!p1 $0x1082;
	[sflag:s4] =	ssyncset.s32 $0xFFFFF086  }
0x25: {  	[simem:s6], [sflag:s4] =	dma.local [hbm:s3], $0xF7A  }
0x26: {  	[smem:$0x3F9C] =	sst s1;
	(tag) =	ssettag s2;
	_ =	strace s9  }
0x27: {  	s1 =	sld [smem:$0x3FAC]  }
0x28: {  	s2 =	sld [smem:$0x3FAD]  }
0x29: {  	s4 =	sld [smem:$0x3FAF]  }
0x2a: {  	p0 =	seq.s32 s5, $0x0;
	s5 =	sld [smem:$0x3FB0]  }
0x2b: {  	s6 =	sld [smem:$0x3FB1]  }
0x2c: {  	s7 =	sld [smem:$0x3FB2]  }
0x2d: {  	s3 =	simm.s32 $0x108;
	s8 =	sld [smem:$0x3FB3]  }
0x2e: {  	s3 =	simm.s32 @!p0 $0x1082;
	s9 =	sld [smem:$0x3FB4]  }
0x2f: {  	lr =	sadd.s32 s0, s3;
	s0 =	sld [smem:$0x3FAB]  }
0x30: {  	s3 =	sld [smem:$0x3FAE]  }
0x31: {  	[smem:$0x3FB7] =	sst s10  }
0x32: {  	s10 =	sld [smem:$0x3FB5];
	_ =	sdelay $0x3  }
0x33: {  	p0 =	seq.s32 s10, $0x1;
	s10 =	sld [smem:$0x3FB7];
	_ =	sdelay $0x3  }
0x34: {  	[smem:$0x3FB7] =	sst s10  }
0x35: {  	s10 =	sld [smem:$0x3FB6];
	_ =	sdelay $0x3  }
0x36: {  	p1 =	seq.s32 s10, $0x1;
	s10 =	sld [smem:$0x3FB7];
	_ =	sdelay $0x3  }
0x37: {  	[smem:$0x3FB7] =	sst s10  }
0x38: {  	s10 =	sld [smem:$0x3FB8]  }
0x39: {  	_ = 	snop;
	(pc) =	sbr.ind lr, $3  }
0x3a: {  	_ = 	snop  }
0x3b: {  	_ = 	snop  }
0x3c: {  	p2 =	seq.s32 s10, $0x1;
	s10 =	sld [smem:$0x3FB7]  }
0x3d: {  	_ =	shalt  }
0x3e: {  	_ =	shalt  }
0x3f: {  	_ =	shalt  }
0x40: {  	_ =	shalt  }
0x41: {  	_ =	shalt  }
0x42: {  	_ =	shalt  }
0x43: {  	_ =	shalt  }
0x44: {  	_ =	shalt  }
0x45: {  	_ =	shalt  }
0x46: {  	_ =	shalt  }
0x47: {  	_ =	shalt  }
0x48: {  	_ =	shalt  }
0x49: {  	_ =	shalt  }
0x4a: {  	_ =	shalt  }
0x4b: {  	_ =	shalt  }
0x4c: {  	_ =	shalt  }
0x4d: {  	_ =	shalt  }
0x4e: {  	_ =	shalt  }
0x4f: {  	_ =	shalt  }
0x50: {  	_ =	shalt  }
0x51: {  	_ =	shalt  }
0x52: {  	_ =	shalt  }
0x53: {  	_ =	shalt  }
0x54: {  	_ =	shalt  }
0x55: {  	_ =	shalt  }
0x56: {  	_ =	shalt  }
0x57: {  	_ =	shalt  }
0x58: {  	_ =	shalt  }
0x59: {  	_ =	shalt  }
0x5a: {  	_ =	shalt  }
0x5b: {  	_ =	shalt  }
0x5c: {  	_ =	shalt  }
0x5d: {  	_ =	shalt  }
0x5e: {  	_ =	shalt  }
0x5f: {  	_ =	shalt  }
0x60: {  	_ =	shalt  }
0x61: {  	_ =	shalt  }
0x62: {  	_ =	shalt  }
0x63: {  	_ =	shalt  }
0x64: {  	_ =	shalt  }
0x65: {  	_ =	shalt  }
0x66: {  	_ =	shalt  }
0x67: {  	_ =	shalt  }
0x68: {  	_ =	shalt  }
0x69: {  	_ =	shalt  }
0x6a: {  	_ =	shalt  }
0x6b: {  	_ =	shalt  }
0x6c: {  	_ =	shalt  }
0x6d: {  	_ =	shalt  }
0x6e: {  	_ =	shalt  }
0x6f: {  	_ =	shalt  }
0x70: {  	_ =	shalt  }
0x71: {  	_ =	shalt  }
0x72: {  	_ =	shalt  }
0x73: {  	_ =	shalt  }
0x74: {  	_ =	shalt  }
0x75: {  	_ =	shalt  }
0x76: {  	_ =	shalt  }
0x77: {  	_ =	shalt  }
0x78: {  	_ =	shalt  }
0x79: {  	_ =	shalt  }
0x7a: {  	_ =	shalt  }
0x7b: {  	_ =	shalt  }
0x7c: {  	_ =	shalt  }
0x7d: {  	_ =	shalt  }
0x7e: {  	_ =	shalt  }
0x7f: {  	_ =	shalt  }
0x80: {  	_ =	shalt  }
0x81: {  	_ =	shalt  }
0x82: {  	_ =	shalt  }
0x83: {  	_ =	shalt  }
0x84: {  	_ =	shalt  }
0x85: {  	_ =	shalt  }
0x86: {  	_ =	shalt  }
0x87: {  	_ =	shalt  }
.Lfunc_end0:
.L_simem_size_0:
called_computation_lowered:
.L_overlay_start_0:
0x88: {  	s2 =	sld [smem:$0x3FD9]  }
0x89: {  	s3 =	sld [smem:$0x3FFE];
	_ =	sdelay $0x1  }
0x8a: {  	s1 =	srdreg.scid  }
0x8b: {  	s0 =	sand.u32 $0x1, s1  }
0x8c: {  	s17 =	sshll.u32 s0, $0xA;
	s2 =	sadd.s32 s3, s2  }
0x8d: {  	s2 =	sadd.s32 s2, s17  }
0x8e: {  	[smem:$0x3FC3] =	sst s2  }
0x8f: {  	_ = 	snop  }
0x90: {  	s2 =	sld [smem:$0x3FC9]  }
0x91: {  	s18 =	sld [smem:$0x3FC8];
	(tm) =	ssettm $0x1  }
0x92: {  	s4 =	sld [smem:$0x3FFB];
	_ =	sdelay $0x3  }
0x93: {  	_ =	strace s4  }
0x94: {  	s4 =	sld [smem:$0x3FFC];
	_ =	sdelay $0x3  }
0x95: {  	_ =	strace s4  }
0x96: {  	s4 =	sld [smem:$0x3FFD];
	_ =	sdelay $0x3  }
0x97: {  	_ =	strace s4  }
0x98: {  	_ =	strace $0x8FFFFFFF  }
0x99: {  	s19 =	sld [smem:$0x3FDB];
	_ =	sdelay $0x1  }
0x9a: {  	s5 =	simm.s32 $_scs_section_size  }
0x9b: {  	s6 =	simm.s32 $_size__tile_overlayer_lowered;
	s7 =	simm.s32 $_tile_overlayer_lowered  }
0x9c: {  	s22 =	simm.s32 $0x1BFF;
	s21 =	sshll.u32 s7, $0x1;
	s4 =	sadd.s32 s5, s19  }
0x9d: {  	s8 =	simm.s32 $0x0;
	s20 =	sshll.u32 s6, $0x1;
	s6 =	sadd.s32 s21, s4  }
0x9e: {  	[timem:s8], [sflag:s22] =	dma.local [hbm:s6], s20  }
0x9f: {  	_ =	swait.ge [sflag:s22], s20  }
0xa0: {  	s5 =	ssub.s32 $0x0, s20;
	[sflag:s22] =	ssyncset.done $0x0  }
0xa1: {  	[sflag:s22] =	ssyncadd.s32 s5;
	_ =	sdelay $0x1  }
0xa2: {  	s23 =	simm.s32 $0x1B8B  }
0xa3: {  	_ =	swait.ge [sflag:s23], $0x1  }
0xa4: {  	[sflag:s23] =	ssyncset.done $0x0  }
0xa5: {  	s25 =	simm.s32 $0x1B8E;
	s24 =	sld [smem:$0x3FFE];
	[sflag:s23] =	ssyncadd.s32 $0xFFFFFFFF  }
0xa6: {  	s26 =	simm.s32 $execute0_lowered;
	[smem:$0x3FD2] =	sst s25  }
0xa7: {  	s6 =	sshll.u32 s26, $0x1;
	_ =	strace $0x80000046;
	[dreg:$0x1] =	wrdreg $0xFFFFFFFF  }
0xa8: {  	s28 =	simm.s32 $_size_execute0_lowered;
	s4 =	sadd.s32 s4, s6;
	[dreg:$0x0] =	wrdreg $0x0  }
0xa9: {  	s6 =	sshll.u32 s28, $0x1;
	[dreg:$0x2] =	wrdreg s4  }
0xaa: {  	[dreg:$0x3] =	wrdreg s6  }
0xab: {  	[dreg:$0x4] =	wrdreg $0xC0  }
0xac: {  	_ =	task [dreg:s8], $0x5FFFF  }
0xad: {  	[dreg:$0x1] =	wrdreg $0xFFFFFFFF  }
0xae: {  	[dreg:$0x0] =	wrdreg $0x60  }
0xaf: {  	[dreg:$0x2] =	wrdreg s2  }
0xb0: {  	[dreg:$0x3] =	wrdreg s18  }
0xb1: {  	[dreg:$0x4] =	wrdreg s24  }
0xb2: {  	[dreg:$0x5] =	wrdreg $0x9  }
0xb3: {  	_ =	task.clear_ibuf [dreg:s8], $0x6FFFF;
	_ =	strace $0x90000046  }
0xb4: {  	s29 =	simm.s32 $0x9;
	_ =	strace $0x80000048  }
0xb5: {  	_ =	swait.ge [sflag:s29], $0x1  }
0xb6: {  	[sflag:s29] =	ssyncadd.s32 $0xFFFFFFFF  }
0xb7: {  	_ =	strace $0x90000048  }
0xb8: {  	_ =	sfence  }
0xb9: {  	s30 =	sld [smem:$0x0];
	_ =	sdelay $0x2  }
0xba: {  	s31 =	sshll.u32 s1, $0xD;
	s1 =	sshrl.u32 s1, $0x2  }
0xbb: {  	s3 =	sand.u32 $0x4000, s31;
	s1 =	sadd.s32 s1, s30  }
0xbc: {  	s0 =	sor.u32 s3, s0;
	s1 =	sshll.u32 s1, $0x11  }
0xbd: {  	s0 =	sor.u32 s1, s0  }
0xbe: {  	s0 =	sadd.s32 $0x8F2B, s0  }
0xbf: {  	[sflag:s0] =	ssyncadd.remote.s32 $0x1  }
0xc0: {  	_ =	sfence.sel $0xFFFF  }
0xc1: {  	[dreg:$0x0] =	wrdreg $0xFFFFFFFF;
	(pc) =	sbr.abs _section_cstart, $3  }
0xc2: {  	[dreg:$0x1] =	wrdreg $0xFFFFFFFF  }
0xc3: {  	_ =	task.clear_ibuf [dreg:s8], $0x2FFFF;
	_ =	strace $0x9FFFFFFF  }
0xc4: {  	(tm) =	ssettm $0x7FFFFFFF  }
0xc5: {  	_ =	shalt  }
tec
execute0_lowered:
.L_overlay_start_1:
0x0: {  	(tag) =	ssettag $0x1  }
0x1: {  	s0 =	rddreg [dreg:$0x0]  }
0x2: {  	s1 =	srdreg.scid;
	s2 =	rddreg [dreg:$0x1]  }
0x3: {  	s3 =	stileid.u32;
	s5 =	rddreg [dreg:$0x2]  }
0x4: {  	s15 =	simm.s32 $0x7;
	s16 =	simm.s32 $0xFA00;
	s17 =	simm.s32 $0x5  }
0x5: {  	s18 =	simm.s32 $0x6;
	s19 =	simm.s32 $0x4;
	s20 =	simm.s32 $0x0  }
0x6: {  	s1 =	sand.u32 $0x1, s1;
	s4 =	sshll.u32 s3, $0x8;
	s3 =	simm.s32 $0x0  }
0x7: {  	s5 =	sadd.s32 $0x800, s5;
	s9 =	sadd.s32 $0x100, s2;
	s10 =	sadd.s32 $0x200, s2  }
0x8: {  	s11 =	sadd.s32 $0x300, s2;
	s6 =	sshll.u32 s1, $0x7;
	[smem:$0x7FF] =	sst s3  }
.Ltmp0:
0x9: {  	s1 =	ssub.s32 $0x2, s1;
	s12 =	sor.u32 s6, s4;
	(pc) =	sbr.rel .LBB2_1-.Ltmp0, $4  }
0xa: {  	_ =	strace $0x80000047;
	s30 =	sshrl.u32 s1, $0x1;
	s4 =	sshrl.u32 s12, $0x1  }
0xb: {  	v0 =	vlaneseq.u32;
	s31 =	ssub.s32 s1, s30;
	s12 =	sshll.u32 s12, $0x7;
	s4 =	sadd.s32 s0, s4  }
0xc: {  	v1 =	vshrl.u32 v0, $0x3;
	s13 =	smax.u32 s31, $0x1;
	s14 =	sadd.s32 s12, s5;
	s0 =	simm.s32 $0xF200  }
0xd: {  	vm0 =	vmmov $0xffff;
	v0 =	vand.u32 $0x7, v0;
	v1 =	vmul.u32 $0x8, v1;
	s6 =	sadd.s32 $0x10, s4;
	s7 =	sadd.s32 $0x20, s4;
	s8 =	sadd.s32 $0x30, s4  }
.LBB2_5:
0xe: {  	_ =	swait.ge [sflag:s17], $0x2000  }
0xf: {  	[sflag:s17] =	ssyncset.done $0x0  }
0x10: {  	[sflag:s17] =	ssyncadd.s32 $0xFFFFE000  }
0x11: {  	_ =	swait.ge [sflag:s17], $0x2000  }
0x12: {  	[sflag:s17] =	ssyncset.done $0x0  }
0x13: {  	[sflag:s17] =	ssyncadd.s32 $0xFFFFE000  }
0x14: {  	_ =	swait.ge [sflag:s17], $0x2000  }
0x15: {  	[sflag:s17] =	ssyncset.done $0x0  }
0x16: {  	[sflag:s17] =	ssyncadd.s32 $0xFFFFE000  }
0x17: {  	_ =	swait.ge [sflag:s17], $0x2000  }
0x18: {  	[sflag:s17] =	ssyncset.done $0x0  }
0x19: {  	[sflag:s17] =	ssyncadd.s32 $0xFFFFE000  }
0x1a: {  	_ =	swait.ge [sflag:s18], $0x2000  }
0x1b: {  	[sflag:s18] =	ssyncset.done $0x0  }
0x1c: {  	[sflag:s18] =	ssyncadd.s32 $0xFFFFE000  }
0x1d: {  	_ =	swait.ge [sflag:s18], $0x2000  }
0x1e: {  	[sflag:s18] =	ssyncset.done $0x0  }
0x1f: {  	[sflag:s18] =	ssyncadd.s32 $0xFFFFE000  }
0x20: {  	_ =	swait.ge [sflag:s18], $0x2000  }
0x21: {  	[sflag:s18] =	ssyncset.done $0x0  }
0x22: {  	[sflag:s18] =	ssyncadd.s32 $0xFFFFE000  }
0x23: {  	_ =	swait.ge [sflag:s18], $0x2000  }
0x24: {  	[sflag:s18] =	ssyncset.done $0x0  }
0x25: {  	[sflag:s18] =	ssyncadd.s32 $0xFFFFE000  }
0x26: {  	_ =	swait.ge [sflag:s19], $0x2000  }
0x27: {  	[sflag:s19] =	ssyncset.done $0x0  }
0x28: {  	[sflag:s19] =	ssyncadd.s32 $0xFFFFE000  }
0x29: {  	_ =	swait.ge [sflag:s19], $0x2000  }
0x2a: {  	[sflag:s19] =	ssyncset.done $0x0  }
0x2b: {  	s20 =	sadd.s32 $0x1, s20;
	[sflag:s19] =	ssyncadd.s32 $0xFFFFE000  }
0x2c: {  	p0 =	sne.s32 s20, s13;
	_ =	swait.ge [sflag:s19], $0x2000  }
.Ltmp1:
0x2d: {  	[sflag:s19] =	ssyncset.done $0x0;
	(pc) =	sbr.rel @!p0 .LBB2_6-.Ltmp1, $4  }
0x2e: {  	[sflag:s19] =	ssyncadd.s32 $0xFFFFE000  }
0x2f: {  	_ =	swait.ge [sflag:s19], $0x2000  }
0x30: {  	[sflag:s19] =	ssyncset.done $0x0  }
0x31: {  	[sflag:s19] =	ssyncadd.s32 $0xFFFFE000  }
.LBB2_1:
0x32: {  	[tilespmem:s3], [sflag:$0x7] =	stream.linear.gather [hbm4b:s4+s3], $0x80, $0x38;
	[tilespmem:$0x18200] =	vst v63  }
0x33: {  	_ =	swait.ge [sflag:s15], $0x80  }
0x34: {  	[sflag:s15] =	ssyncset.done $0x0  }
0x35: {  	s1 =	simm.s32 $0x80;
	[sflag:s15] =	ssyncadd.s32 $0xFFFFFF80  }
0x36: {  	[tilespmem:s1], [sflag:$0x7] =	stream.linear.gather [hbm4b:s6+s3], $0x80, $0x38;
	[tilespmem:$0x18200] =	vst v63  }
0x37: {  	_ =	swait.ge [sflag:s15], $0x80  }
0x38: {  	[sflag:s15] =	ssyncset.done $0x0  }
0x39: {  	s30 =	simm.s32 $0x100;
	[sflag:s15] =	ssyncadd.s32 $0xFFFFFF80  }
0x3a: {  	[tilespmem:s30], [sflag:$0x7] =	stream.linear.gather [hbm4b:s7+s3], $0x80, $0x38;
	[tilespmem:$0x18200] =	vst v63  }
0x3b: {  	_ =	swait.ge [sflag:s15], $0x80  }
0x3c: {  	[sflag:s15] =	ssyncset.done $0x0  }
0x3d: {  	s31 =	simm.s32 $0x180;
	[sflag:s15] =	ssyncadd.s32 $0xFFFFFF80  }
0x3e: {  	[tilespmem:s31], [sflag:$0x7] =	stream.linear.gather [hbm4b:s8+s3], $0x80, $0x38;
	[tilespmem:$0x18200] =	vst v63  }
0x3f: {  	_ =	swait.ge [sflag:s15], $0x80  }
0x40: {  	[sflag:s15] =	ssyncset.done $0x0  }
0x41: {  	[sflag:s15] =	ssyncadd.s32 $0xFFFFFF80  }
0x42: {  	v2 =	vld.msk [tilespmem:$0x0], $0xff;
	_ =	sdelay $0x4  }
0x43: {  	v3 =	vshll.u32 v2, $0x3  }
0x44: {  	v2 =	vand.u32 $0x7, v2;
	v3 =	vand.u32 $0xFFFFFFC0, v3  }
0x45: {  	v2 =	vor.u32 v2, v3  }
0x46: {  	v2 =	vperm.xlane v2, v0;
	_ =	sdelay $0x1  }
0x47: {  	v2 =	vadd.s32 v1, v2;
	_ =	sdelay $0x3  }
0x48: {  	s21 =	simm.s32 $0x200  }
0x49: {  	[tilespmem:s21], [sflag:$0x1] =	stream.indirect_vreg.gather [hbm4b:s2+s3], $0x80, v2, vm0, $0xb8;
	[tilespmem:$0x18200] =	vst v63  }
0x4a: {  	s22 =	simm.s32 $0xA00  }
0x4b: {  	[tilespmem:s22], [sflag:$0x1] =	stream.indirect_vreg.gather [hbm4b:s9+s3], $0x80, v2, vm0, $0xb8;
	[tilespmem:$0x18200] =	vst v63  }
0x4c: {  	s23 =	simm.s32 $0x1200  }
0x4d: {  	[tilespmem:s23], [sflag:$0x1] =	stream.indirect_vreg.gather [hbm4b:s10+s3], $0x80, v2, vm0, $0xb8;
	[tilespmem:$0x18200] =	vst v63  }
0x4e: {  	s24 =	simm.s32 $0x1A00  }
0x4f: {  	[tilespmem:s24], [sflag:$0x1] =	stream.indirect_vreg.gather [hbm4b:s11+s3], $0x80, v2, vm0, $0xb8;
	[tilespmem:$0x18200] =	vst v63  }
0x50: {  	v2 =	vld.msk [tilespmem:$0x80], $0xff;
	_ =	sdelay $0x4  }
0x51: {  	v3 =	vshll.u32 v2, $0x3  }
0x52: {  	v2 =	vand.u32 $0x7, v2;
	v3 =	vand.u32 $0xFFFFFFC0, v3  }
0x53: {  	v2 =	vor.u32 v2, v3  }
0x54: {  	v2 =	vperm.xlane v2, v0;
	_ =	sdelay $0x1  }
0x55: {  	v2 =	vadd.s32 v1, v2;
	_ =	sdelay $0x3  }
0x56: {  	s25 =	simm.s32 $0x2200  }
0x57: {  	[tilespmem:s25], [sflag:$0x1] =	stream.indirect_vreg.gather [hbm4b:s2+s3], $0x80, v2, vm0, $0xb8;
	[tilespmem:$0x18200] =	vst v63  }
0x58: {  	s26 =	simm.s32 $0x2A00  }
0x59: {  	[tilespmem:s26], [sflag:$0x1] =	stream.indirect_vreg.gather [hbm4b:s9+s3], $0x80, v2, vm0, $0xb8;
	[tilespmem:$0x18200] =	vst v63  }
0x5a: {  	s28 =	simm.s32 $0x3200  }
0x5b: {  	[tilespmem:s28], [sflag:$0x1] =	stream.indirect_vreg.gather [hbm4b:s10+s3], $0x80, v2, vm0, $0xb8;
	[tilespmem:$0x18200] =	vst v63  }
0x5c: {  	s29 =	simm.s32 $0x3A00  }
0x5d: {  	[tilespmem:s29], [sflag:$0x1] =	stream.indirect_vreg.gather [hbm4b:s11+s3], $0x80, v2, vm0, $0xb8;
	[tilespmem:$0x18200] =	vst v63  }
0x5e: {  	v2 =	vld.msk [tilespmem:$0x100], $0xff;
	_ =	sdelay $0x4  }
0x5f: {  	v3 =	vshll.u32 v2, $0x3  }
0x60: {  	v2 =	vand.u32 $0x7, v2;
	v3 =	vand.u32 $0xFFFFFFC0, v3  }
0x61: {  	v2 =	vor.u32 v2, v3  }
0x62: {  	v2 =	vperm.xlane v2, v0;
	_ =	sdelay $0x1  }
0x63: {  	v2 =	vadd.s32 v1, v2;
	_ =	sdelay $0x3  }
0x64: {  	s30 =	simm.s32 $0x4200  }
0x65: {  	[tilespmem:s30], [sflag:$0x1] =	stream.indirect_vreg.gather [hbm4b:s2+s3], $0x80, v2, vm0, $0xb8;
	[tilespmem:$0x18200] =	vst v63  }
0x66: {  	s31 =	simm.s32 $0x4A00  }
0x67: {  	[tilespmem:s31], [sflag:$0x1] =	stream.indirect_vreg.gather [hbm4b:s9+s3], $0x80, v2, vm0, $0xb8;
	[tilespmem:$0x18200] =	vst v63  }
0x68: {  	s21 =	simm.s32 $0x5200  }
0x69: {  	[tilespmem:s21], [sflag:$0x1] =	stream.indirect_vreg.gather [hbm4b:s10+s3], $0x80, v2, vm0, $0xb8;
	[tilespmem:$0x18200] =	vst v63  }
0x6a: {  	s22 =	simm.s32 $0x5A00  }
0x6b: {  	[tilespmem:s22], [sflag:$0x1] =	stream.indirect_vreg.gather [hbm4b:s11+s3], $0x80, v2, vm0, $0xb8;
	[tilespmem:$0x18200] =	vst v63  }
0x6c: {  	v2 =	vld.msk [tilespmem:$0x180], $0xff;
	_ =	sdelay $0x4  }
0x6d: {  	v3 =	vshll.u32 v2, $0x3  }
0x6e: {  	v2 =	vand.u32 $0x7, v2;
	v3 =	vand.u32 $0xFFFFFFC0, v3  }
0x6f: {  	v2 =	vor.u32 v2, v3  }
0x70: {  	v2 =	vperm.xlane v2, v0;
	_ =	sdelay $0x1  }
0x71: {  	v2 =	vadd.s32 v1, v2;
	_ =	sdelay $0x3  }
0x72: {  	s23 =	simm.s32 $0x6200  }
0x73: {  	[tilespmem:s23], [sflag:$0x1] =	stream.indirect_vreg.gather [hbm4b:s2+s3], $0x80, v2, vm0, $0xb8;
	[tilespmem:$0x18200] =	vst v63  }
0x74: {  	s24 =	simm.s32 $0x6A00  }
0x75: {  	[tilespmem:s24], [sflag:$0x1] =	stream.indirect_vreg.gather [hbm4b:s9+s3], $0x80, v2, vm0, $0xb8;
	[tilespmem:$0x18200] =	vst v63  }
0x76: {  	s25 =	simm.s32 $0x7200  }
0x77: {  	[tilespmem:s25], [sflag:$0x1] =	stream.indirect_vreg.gather [hbm4b:s10+s3], $0x80, v2, vm0, $0xb8;
	[tilespmem:$0x18200] =	vst v63  }
0x78: {  	s26 =	simm.s32 $0x7A00  }
0x79: {  	[tilespmem:s26], [sflag:$0x1] =	stream.indirect_vreg.gather [hbm4b:s11+s3], $0x80, v2, vm0, $0xb8;
	[tilespmem:$0x18200] =	vst v63  }
0x7a: {  	v2 =	vld.msk [tilespmem:$0x8], $0xff;
	_ =	sdelay $0x4  }
0x7b: {  	v3 =	vshll.u32 v2, $0x3  }
0x7c: {  	v2 =	vand.u32 $0x7, v2;
	v3 =	vand.u32 $0xFFFFFFC0, v3  }
0x7d: {  	v2 =	vor.u32 v2, v3  }
0x7e: {  	v2 =	vperm.xlane v2, v0;
	_ =	sdelay $0x1  }
0x7f: {  	v2 =	vadd.s32 v1, v2;
	_ =	sdelay $0x3  }
0x80: {  	s28 =	simm.s32 $0x8200  }
0x81: {  	[tilespmem:s28], [sflag:$0x2] =	stream.indirect_vreg.gather [hbm4b:s2+s3], $0x80, v2, vm0, $0xb8;
	[tilespmem:$0x18200] =	vst v63  }
0x82: {  	s29 =	simm.s32 $0x8A00  }
0x83: {  	[tilespmem:s29], [sflag:$0x2] =	stream.indirect_vreg.gather [hbm4b:s9+s3], $0x80, v2, vm0, $0xb8;
	[tilespmem:$0x18200] =	vst v63  }
0x84: {  	s30 =	simm.s32 $0x9200  }
0x85: {  	[tilespmem:s30], [sflag:$0x2] =	stream.indirect_vreg.gather [hbm4b:s10+s3], $0x80, v2, vm0, $0xb8;
	[tilespmem:$0x18200] =	vst v63  }
0x86: {  	s31 =	simm.s32 $0x9A00  }
0x87: {  	[tilespmem:s31], [sflag:$0x2] =	stream.indirect_vreg.gather [hbm4b:s11+s3], $0x80, v2, vm0, $0xb8;
	[tilespmem:$0x18200] =	vst v63  }
0x88: {  	v2 =	vld.msk [tilespmem:$0x88], $0xff;
	_ =	sdelay $0x4  }
0x89: {  	v3 =	vshll.u32 v2, $0x3  }
0x8a: {  	v2 =	vand.u32 $0x7, v2;
	v3 =	vand.u32 $0xFFFFFFC0, v3  }
0x8b: {  	v2 =	vor.u32 v2, v3  }
0x8c: {  	v2 =	vperm.xlane v2, v0;
	_ =	sdelay $0x1  }
0x8d: {  	v2 =	vadd.s32 v1, v2;
	_ =	sdelay $0x3  }
0x8e: {  	s21 =	simm.s32 $0xA200  }
0x8f: {  	[tilespmem:s21], [sflag:$0x2] =	stream.indirect_vreg.gather [hbm4b:s2+s3], $0x80, v2, vm0, $0xb8;
	[tilespmem:$0x18200] =	vst v63  }
0x90: {  	s22 =	simm.s32 $0xAA00  }
0x91: {  	[tilespmem:s22], [sflag:$0x2] =	stream.indirect_vreg.gather [hbm4b:s9+s3], $0x80, v2, vm0, $0xb8;
	[tilespmem:$0x18200] =	vst v63  }
0x92: {  	s23 =	simm.s32 $0xB200  }
0x93: {  	[tilespmem:s23], [sflag:$0x2] =	stream.indirect_vreg.gather [hbm4b:s10+s3], $0x80, v2, vm0, $0xb8;
	[tilespmem:$0x18200] =	vst v63  }
0x94: {  	s24 =	simm.s32 $0xBA00  }
0x95: {  	[tilespmem:s24], [sflag:$0x2] =	stream.indirect_vreg.gather [hbm4b:s11+s3], $0x80, v2, vm0, $0xb8;
	[tilespmem:$0x18200] =	vst v63  }
0x96: {  	v2 =	vld.msk [tilespmem:$0x108], $0xff;
	_ =	sdelay $0x4  }
0x97: {  	v3 =	vshll.u32 v2, $0x3  }
0x98: {  	v2 =	vand.u32 $0x7, v2;
	v3 =	vand.u32 $0xFFFFFFC0, v3  }
0x99: {  	v2 =	vor.u32 v2, v3  }
0x9a: {  	v2 =	vperm.xlane v2, v0;
	_ =	sdelay $0x1  }
0x9b: {  	v2 =	vadd.s32 v1, v2;
	_ =	sdelay $0x3  }
0x9c: {  	s25 =	simm.s32 $0xC200  }
0x9d: {  	[tilespmem:s25], [sflag:$0x2] =	stream.indirect_vreg.gather [hbm4b:s2+s3], $0x80, v2, vm0, $0xb8;
	[tilespmem:$0x18200] =	vst v63  }
0x9e: {  	s26 =	simm.s32 $0xCA00  }
0x9f: {  	[tilespmem:s26], [sflag:$0x2] =	stream.indirect_vreg.gather [hbm4b:s9+s3], $0x80, v2, vm0, $0xb8;
	[tilespmem:$0x18200] =	vst v63  }
0xa0: {  	s28 =	simm.s32 $0xD200  }
0xa1: {  	[tilespmem:s28], [sflag:$0x2] =	stream.indirect_vreg.gather [hbm4b:s10+s3], $0x80, v2, vm0, $0xb8;
	[tilespmem:$0x18200] =	vst v63  }
0xa2: {  	s29 =	simm.s32 $0xDA00  }
0xa3: {  	[tilespmem:s29], [sflag:$0x2] =	stream.indirect_vreg.gather [hbm4b:s11+s3], $0x80, v2, vm0, $0xb8;
	[tilespmem:$0x18200] =	vst v63  }
0xa4: {  	v2 =	vld.msk [tilespmem:$0x188], $0xff;
	_ =	sdelay $0x4  }
0xa5: {  	v3 =	vshll.u32 v2, $0x3  }
0xa6: {  	v2 =	vand.u32 $0x7, v2;
	v3 =	vand.u32 $0xFFFFFFC0, v3  }
0xa7: {  	v2 =	vor.u32 v2, v3  }
0xa8: {  	v2 =	vperm.xlane v2, v0;
	_ =	sdelay $0x1  }
0xa9: {  	v2 =	vadd.s32 v1, v2;
	_ =	sdelay $0x3  }
0xaa: {  	s30 =	simm.s32 $0xE200  }
0xab: {  	[tilespmem:s30], [sflag:$0x2] =	stream.indirect_vreg.gather [hbm4b:s2+s3], $0x80, v2, vm0, $0xb8;
	[tilespmem:$0x18200] =	vst v63  }
0xac: {  	s31 =	simm.s32 $0xEA00  }
0xad: {  	[tilespmem:s31], [sflag:$0x2] =	stream.indirect_vreg.gather [hbm4b:s9+s3], $0x80, v2, vm0, $0xb8;
	[tilespmem:$0x18200] =	vst v63  }
.Ltmp2:
0xae: {  	_ = 	snop;
	(pc) =	sbr.rel .LBB2_2-.Ltmp2, $4  }
0xaf: {  	s21 =	simm.s32 $0x2  }
0xb0: {  	[tilespmem:s0], [sflag:$0x2] =	stream.indirect_vreg.gather [hbm4b:s10+s3], $0x80, v2, vm0, $0xb8;
	[tilespmem:$0x18200] =	vst v63  }
0xb1: {  	s22 =	simm.s32 $0x10;
	s23 =	simm.s32 $0x10;
	s24 =	simm.s32 $0x0  }
0xb2: {  	[tilespmem:s16], [sflag:$0x2] =	stream.indirect_vreg.gather [hbm4b:s11+s3], $0x80, v2, vm0, $0xb8;
	[tilespmem:$0x18200] =	vst v63  }
.LBB2_4:
0xb3: {  	s24 =	sadd.s32 $0x400, s24  }
0xb4: {  	p0 =	sne.s32 s24, $0x4000  }
.Ltmp3:
0xb5: {  	_ = 	snop;
	(pc) =	sbr.rel @!p0 .LBB2_5-.Ltmp3, $2  }
0xb6: {  	_ =	sdelay $0x2  }
0xb7: {  	s21 =	sadd.s32 $0x1, s21;
	s23 =	sadd.s32 $0x8, s23;
	s22 =	sadd.s32 $0x8, s22  }
.LBB2_2:
0xb8: {  	s25 =	sadd.s32 $0xFFFFFFFE, s21  }
0xb9: {  	s26 =	smul.u32 $0xAB, s25;
	_ =	sdelay $0x1  }
0xba: {  	s26 =	sshrl.u32 s26, $0x9  }
0xbb: {  	s26 =	sand.u32 $0x7F, s26  }
0xbc: {  	s26 =	smul.u32 $0x3, s26;
	_ =	sdelay $0x1  }
0xbd: {  	s26 =	ssub.s32 s25, s26  }
0xbe: {  	s26 =	sand.u32 $0xFF, s26  }
0xbf: {  	s28 =	sadd.s32 $0x1, s26  }
0xc0: {  	_ =	swait.ge [sflag:s28], $0x2000  }
0xc1: {  	[sflag:s28] =	ssyncset.done $0x0  }
0xc2: {  	[sflag:s28] =	ssyncadd.s32 $0xFFFFE000  }
0xc3: {  	_ =	swait.ge [sflag:s28], $0x2000  }
0xc4: {  	[sflag:s28] =	ssyncset.done $0x0  }
0xc5: {  	[sflag:s28] =	ssyncadd.s32 $0xFFFFE000  }
0xc6: {  	_ =	swait.ge [sflag:s28], $0x2000  }
0xc7: {  	[sflag:s28] =	ssyncset.done $0x0  }
0xc8: {  	[sflag:s28] =	ssyncadd.s32 $0xFFFFE000  }
0xc9: {  	s31 =	sadd.s32 s24, s14;
	_ =	swait.ge [sflag:s28], $0x2000  }
0xca: {  	s29 =	sshll.u32 s26, $0xF;
	s26 =	sor.u32 $0x4, s26;
	[sflag:s28] =	ssyncset.done $0x0  }
0xcb: {  	s30 =	sor.u32 $0x200, s29;
	[sflag:s28] =	ssyncadd.s32 $0xFFFFE000;
	s28 =	sadd.s32 s24, s12  }
0xcc: {  	[hbm4b:s31+s3] =	stream.linear.scatter [tilespmem:s30], [sflag:s26], $0x2000, $0x38;
	[tilespmem:$0x18200] =	vst v63  }
0xcd: {  	s30 =	sor.u32 $0x80000, s28  }
0xce: {  	p0 =	sgt.u32 s25, $0xD;
	s1 =	sor.u32 $0x2200, s29;
	s30 =	sadd.s32 s5, s30  }
0xcf: {  	[hbm4b:s30+s3] =	stream.linear.scatter [tilespmem:s1], [sflag:s26], $0x2000, $0x38;
	[tilespmem:$0x18200] =	vst v63  }
.Ltmp4:
0xd0: {  	s1 =	sor.u32 $0x100000, s28;
	(pc) =	sbr.rel @p0 .LBB2_4-.Ltmp4, $4  }
0xd1: {  	s30 =	sor.u32 $0x4200, s29;
	s1 =	sadd.s32 s5, s1  }
0xd2: {  	[hbm4b:s1+s3] =	stream.linear.scatter [tilespmem:s30], [sflag:s26], $0x2000, $0x38;
	[tilespmem:$0x18200] =	vst v63  }
0xd3: {  	s31 =	sadd.s32 $0x180000, s31;
	s30 =	sor.u32 $0x6200, s29  }
0xd4: {  	[hbm4b:s31+s3] =	stream.linear.scatter [tilespmem:s30], [sflag:s26], $0x2000, $0x38;
	[tilespmem:$0x18200] =	vst v63  }
0xd5: {  	s1 =	smul.u32 $0xAB, s21;
	_ =	sdelay $0x1  }
0xd6: {  	s1 =	sshrl.u32 s1, $0x9  }
0xd7: {  	s1 =	sand.u32 $0x7F, s1  }
0xd8: {  	s1 =	smul.u32 $0x3, s1;
	_ =	sdelay $0x1  }
0xd9: {  	s1 =	ssub.s32 s21, s1  }
0xda: {  	p0 =	seq.s32 s24, $0x0;
	s1 =	sand.u32 $0xFF, s1  }
0xdb: {  	s25 =	sadd.s32 @!p0 $0x4, s1  }
0xdc: {  	_ =	swait.ge @!p0 [sflag:s25], $0x2000  }
0xdd: {  	[sflag:s25] =	ssyncset.done @!p0 $0x0  }
0xde: {  	[sflag:s25] =	ssyncadd.s32 @!p0 $0xFFFFE000  }
0xdf: {  	_ =	swait.ge @!p0 [sflag:s25], $0x2000  }
0xe0: {  	[sflag:s25] =	ssyncset.done @!p0 $0x0  }
0xe1: {  	[sflag:s25] =	ssyncadd.s32 @!p0 $0xFFFFE000  }
0xe2: {  	_ =	swait.ge @!p0 [sflag:s25], $0x2000  }
0xe3: {  	[sflag:s25] =	ssyncset.done @!p0 $0x0  }
0xe4: {  	[sflag:s25] =	ssyncadd.s32 @!p0 $0xFFFFE000  }
0xe5: {  	_ =	swait.ge @!p0 [sflag:s25], $0x2000  }
0xe6: {  	[sflag:s25] =	ssyncset.done @!p0 $0x0  }
0xe7: {  	[sflag:s25] =	ssyncadd.s32 @!p0 $0xFFFFE000  }
0xe8: {  	v2 =	vld.msk [tilespmem:s23+$0x0], $0xff;
	_ =	sdelay $0x4  }
0xe9: {  	v3 =	vshll.u32 v2, $0x3  }
0xea: {  	v2 =	vand.u32 $0x7, v2;
	v3 =	vand.u32 $0xFFFFFFC0, v3  }
0xeb: {  	v2 =	vor.u32 v2, v3  }
0xec: {  	v2 =	vperm.xlane v2, v0;
	_ =	sdelay $0x1  }
0xed: {  	v2 =	vadd.s32 v1, v2;
	_ =	sdelay $0x2  }
0xee: {  	s25 =	sshll.u32 s1, $0xF  }
0xef: {  	s1 =	sadd.s32 $0x1, s1;
	s26 =	sor.u32 $0x200, s25  }
0xf0: {  	[tilespmem:s26], [sflag:s1] =	stream.indirect_vreg.gather [hbm4b:s2+s3], $0x80, v2, vm0, $0xb8;
	[tilespmem:$0x18200] =	vst v63  }
0xf1: {  	s31 =	sor.u32 $0xA00, s25  }
0xf2: {  	[tilespmem:s31], [sflag:s1] =	stream.indirect_vreg.gather [hbm4b:s9+s3], $0x80, v2, vm0, $0xb8;
	[tilespmem:$0x18200] =	vst v63  }
0xf3: {  	s28 =	sor.u32 $0x1200, s25  }
0xf4: {  	[tilespmem:s28], [sflag:s1] =	stream.indirect_vreg.gather [hbm4b:s10+s3], $0x80, v2, vm0, $0xb8;
	[tilespmem:$0x18200] =	vst v63  }
0xf5: {  	s29 =	sor.u32 $0x1A00, s25;
	s26 =	sand.u32 $0xF8, s22  }
0xf6: {  	[tilespmem:s29], [sflag:s1] =	stream.indirect_vreg.gather [hbm4b:s11+s3], $0x80, v2, vm0, $0xb8;
	[tilespmem:$0x18200] =	vst v63  }
0xf7: {  	v2 =	vld.msk [tilespmem:s26+$0x80], $0xff;
	_ =	sdelay $0x4  }
0xf8: {  	v3 =	vshll.u32 v2, $0x3  }
0xf9: {  	v2 =	vand.u32 $0x7, v2;
	v3 =	vand.u32 $0xFFFFFFC0, v3  }
0xfa: {  	v2 =	vor.u32 v2, v3  }
0xfb: {  	v2 =	vperm.xlane v2, v0;
	_ =	sdelay $0x1  }
0xfc: {  	v2 =	vadd.s32 v1, v2;
	_ =	sdelay $0x3  }
0xfd: {  	s28 =	sor.u32 $0x2200, s25  }
0xfe: {  	[tilespmem:s28], [sflag:s1] =	stream.indirect_vreg.gather [hbm4b:s2+s3], $0x80, v2, vm0, $0xb8;
	[tilespmem:$0x18200] =	vst v63  }
0xff: {  	s30 =	sor.u32 $0x2A00, s25  }
0x100: {  	[tilespmem:s30], [sflag:s1] =	stream.indirect_vreg.gather [hbm4b:s9+s3], $0x80, v2, vm0, $0xb8;
	[tilespmem:$0x18200] =	vst v63  }
0x101: {  	s31 =	sor.u32 $0x3200, s25  }
0x102: {  	[tilespmem:s31], [sflag:s1] =	stream.indirect_vreg.gather [hbm4b:s10+s3], $0x80, v2, vm0, $0xb8;
	[tilespmem:$0x18200] =	vst v63  }
0x103: {  	s29 =	sor.u32 $0x3A00, s25;
	s30 =	sor.u32 $0x100, s26  }
0x104: {  	[tilespmem:s29], [sflag:s1] =	stream.indirect_vreg.gather [hbm4b:s11+s3], $0x80, v2, vm0, $0xb8;
	[tilespmem:$0x18200] =	vst v63  }
0x105: {  	v2 =	vld.msk [tilespmem:s30+$0x0], $0xff;
	_ =	sdelay $0x4  }
0x106: {  	v3 =	vshll.u32 v2, $0x3  }
0x107: {  	v2 =	vand.u32 $0x7, v2;
	v3 =	vand.u32 $0xFFFFFFC0, v3  }
0x108: {  	v2 =	vor.u32 v2, v3  }
0x109: {  	v2 =	vperm.xlane v2, v0;
	_ =	sdelay $0x1  }
0x10a: {  	v2 =	vadd.s32 v1, v2;
	_ =	sdelay $0x3  }
0x10b: {  	s31 =	sor.u32 $0x4200, s25  }
0x10c: {  	[tilespmem:s31], [sflag:s1] =	stream.indirect_vreg.gather [hbm4b:s2+s3], $0x80, v2, vm0, $0xb8;
	[tilespmem:$0x18200] =	vst v63  }
0x10d: {  	s29 =	sor.u32 $0x4A00, s25  }
0x10e: {  	[tilespmem:s29], [sflag:s1] =	stream.indirect_vreg.gather [hbm4b:s9+s3], $0x80, v2, vm0, $0xb8;
	[tilespmem:$0x18200] =	vst v63  }
0x10f: {  	s30 =	sor.u32 $0x5200, s25  }
0x110: {  	[tilespmem:s30], [sflag:s1] =	stream.indirect_vreg.gather [hbm4b:s10+s3], $0x80, v2, vm0, $0xb8;
	[tilespmem:$0x18200] =	vst v63  }
0x111: {  	s31 =	sor.u32 $0x5A00, s25  }
0x112: {  	[tilespmem:s31], [sflag:s1] =	stream.indirect_vreg.gather [hbm4b:s11+s3], $0x80, v2, vm0, $0xb8;
	[tilespmem:$0x18200] =	vst v63  }
0x113: {  	v2 =	vld.msk [tilespmem:s26+$0x180], $0xff;
	_ =	sdelay $0x4  }
0x114: {  	v3 =	vshll.u32 v2, $0x3  }
0x115: {  	v2 =	vand.u32 $0x7, v2;
	v3 =	vand.u32 $0xFFFFFFC0, v3  }
0x116: {  	v2 =	vor.u32 v2, v3  }
0x117: {  	v2 =	vperm.xlane v2, v0;
	_ =	sdelay $0x1  }
0x118: {  	v2 =	vadd.s32 v1, v2;
	_ =	sdelay $0x3  }
0x119: {  	s29 =	sor.u32 $0x6200, s25  }
0x11a: {  	[tilespmem:s29], [sflag:s1] =	stream.indirect_vreg.gather [hbm4b:s2+s3], $0x80, v2, vm0, $0xb8;
	[tilespmem:$0x18200] =	vst v63  }
0x11b: {  	s30 =	sor.u32 $0x6A00, s25  }
0x11c: {  	[tilespmem:s30], [sflag:s1] =	stream.indirect_vreg.gather [hbm4b:s9+s3], $0x80, v2, vm0, $0xb8;
	[tilespmem:$0x18200] =	vst v63  }
.Ltmp5:
0x11d: {  	_ = 	snop;
	(pc) =	sbr.rel .LBB2_4-.Ltmp5, $4  }
0x11e: {  	s31 =	sor.u32 $0x7200, s25  }
0x11f: {  	[tilespmem:s31], [sflag:s1] =	stream.indirect_vreg.gather [hbm4b:s10+s3], $0x80, v2, vm0, $0xb8;
	[tilespmem:$0x18200] =	vst v63  }
0x120: {  	s25 =	sor.u32 $0x7A00, s25  }
0x121: {  	[tilespmem:s25], [sflag:s1] =	stream.indirect_vreg.gather [hbm4b:s11+s3], $0x80, v2, vm0, $0xb8;
	[tilespmem:$0x18200] =	vst v63  }
.LBB2_6:
0x122: {  	_ =	sfence.sel $0x180000  }
0x123: {  	[bflag:$0x0] =	sbarrier.arrive $0xFFFF  }
0x124: {  	_ =	strace $0x90000047  }
0x125: {  	s0 =	stileid.u32;
	[bflag:$0x2] =	sbarrier.arrive $0xFFFF  }
0x126: {  	p0 =	sne.s32 s0, $0x0;
	s0 =	rddreg [dreg:$0x3]  }
0x127: {  	s0 =	sadd.s32 @!p0 $0x100000, s0  }
0x128: {  	[sflag:s0] =	ssyncadd.tile.s32 @!p0 $0x1;
	_ =	shalt  }
.Lfunc_end2:
_tile_overlayer_lowered:
.L_overlay_start_2:
0x129: {  	(tag) =	ssettag $0x2  }
0x12a: {  	s0 =	rddreg [dreg:$0x0];
	s2 =	stileid.u32  }
0x12b: {  	s1 =	rddreg [dreg:$0x1];
	p0 =	sne.s32 s2, $0x0  }
0x12c: {  	s3 =	rddreg [dreg:$0x2];
	[bflag:$0x3] =	sbarrier.arrive $0xFFFF;
	s2 =	simm.s32 @!p0 $0x1C07  }
0x12d: {  	[timem:s3], [sflag:s2] =	dma.local @!p0 [hbm:s0], s1  }
0x12e: {  	s0 =	simm.s32 @!p0 $0x7  }
0x12f: {  	_ =	swait.ge @!p0 [sflag:s0], s1  }
0x130: {  	s1 =	ssub.s32 @!p0 $0x0, s1;
	[sflag:s0] =	ssyncset.done @!p0 $0x0  }
0x131: {  	[sflag:s0] =	ssyncadd.s32 @!p0 s1  }
0x132: {  	[bflag:$0x3] =	sbarrier.arrive $0xFFFF  }
0x133: {  	_ =	shalt  }

</sc_bundles>
